<compile_context>
chip_gen: v7x
topology: tpu7x:2x2x1
jax: 0.10.2.dev20260603
libtpu: 0.0.44.dev20260713+nightly
codegen_flags: <defaults>
</compile_context>

<pallas_src>
import jax
import jax.numpy as jnp
import numpy as np
from jax import lax
from jax.experimental import pallas as pl
from jax.experimental.pallas import tpu as pltpu
from jax.experimental.pallas import tpu_sc as plsc

_ANCHORS = np.array([1.3221, 1.73145, 3.19275, 4.00944, 5.05587,
                     8.09892, 9.47112, 4.84053, 11.2364, 10.0071], np.float32)
_GRID = 13
_NA = 5
_B = 128
_CELLS = _GRID * _GRID
_CH = 125
_ROW = _CH * _CELLS
_N_TOTAL = _B * _ROW
_NW = 32
_BPW = _B // _NW
_L = 16

_SC_WH = [(np.float32(_ANCHORS[2 * _a] / _GRID), np.float32(_ANCHORS[2 * _a + 1] / _GRID))
          for _a in range(_NA)]
_SCALE_SQ = np.ones((1, _CH), np.float32)
for _a in range(_NA):
    _SCALE_SQ[0, _a * 25 + 2] = float(_SC_WH[_a][0]) ** 2
    _SCALE_SQ[0, _a * 25 + 3] = float(_SC_WH[_a][1]) ** 2


def _tc_body(det_ref, s2_ref, out_ref, outp_ref):
    i = pl.program_id(0)
    d = det_ref[...]
    part = jnp.sum(d * d * s2_ref[...][0][None, None, None, :])

    @pl.when(i == 0)
    def _init():
        out_ref[...] = jnp.zeros((1, 1), jnp.float32)

    out_ref[...] += part.reshape(1, 1)
    di = jax.lax.bitcast_convert_type(d, jnp.int32)
    packed = ((di[:, :, :64, :] >> 16) & jnp.int32(0xFFFF)) | (
        di[:, :, 64:, :] & jnp.int32(-65536))
    outp_ref[:, :, :, :_CH] = packed


def _sc_body(det_hbm, gt_hbm, cls_hbm, out_hbm, rows_v, idxbuf, gtbuf, clsbuf,
             keybuf, accbuf, gsem, csem, rsem):
    wid = lax.axis_index("s") * 2 + lax.axis_index("c")
    b0 = wid * _BPW
    iota = lax.iota(jnp.int32, _L)
    lane8 = iota < 8
    obj = jnp.minimum(iota, 7)

    gcp = pltpu.async_copy(gt_hbm.at[pl.ds(b0, _BPW)], gtbuf, gsem)
    ccp = pltpu.async_copy(cls_hbm.at[pl.ds(b0, _BPW)], clsbuf, csem)
    gcp.wait()
    ccp.wait()

    def idx_body(i, carry):
        row = jnp.full((_L,), i, jnp.int32)
        gtx = plsc.load_gather(gtbuf, [row, obj * 4])
        gty = plsc.load_gather(gtbuf, [row, obj * 4 + 1])
        gx = jnp.clip((gtx * _GRID).astype(jnp.int32), 0, _GRID - 1)
        gy = jnp.clip((gty * _GRID).astype(jnp.int32), 0, _GRID - 1)
        cell = gx * _GRID + gy
        plsc.store_scatter(idxbuf, [i * 8 + obj],
                           cell * 64 + jax.lax.rem(b0 + i, 64), mask=lane8)
        return carry

    lax.fori_loop(0, _BPW, idx_body, 0)

    pltpu.async_copy(det_hbm.at[idxbuf], rows_v, rsem).wait()

    def corr_body(i, acc):
        row = jnp.full((_L,), i, jnp.int32)
        gtx = plsc.load_gather(gtbuf, [row, obj * 4])
        gty = plsc.load_gather(gtbuf, [row, obj * 4 + 1])
        gtw = plsc.load_gather(gtbuf, [row, obj * 4 + 2])
        gth = plsc.load_gather(gtbuf, [row, obj * 4 + 3])
        cell = plsc.load_gather(idxbuf, [i * 8 + obj]) // 64
        cls = plsc.load_gather(clsbuf, [row, obj])
        rrow = i * 8 + obj
        hi_half = (b0 + i) >= 64

        def gat(ch):
            w = plsc.load_gather(rows_v, [rrow, ch])
            bits = jnp.where(hi_half, w & jnp.int32(-65536), w << 16)
            return plsc.bitcast(bits, jnp.float32)

        a1 = (gtw - gtx + 1.0) * (gth - gty + 1.0)
        best = jnp.zeros((_L,), jnp.int32)
        best_iou = None
        for a in range(_NA):
            f0 = gat(jnp.full((_L,), a * 25 + 0, jnp.int32))
            f1 = gat(jnp.full((_L,), a * 25 + 1, jnp.int32))
            f2 = gat(jnp.full((_L,), a * 25 + 2, jnp.int32)) * _SC_WH[a][0]
            f3 = gat(jnp.full((_L,), a * 25 + 3, jnp.int32)) * _SC_WH[a][1]
            x1 = jnp.maximum(gtx, f0)
            y1 = jnp.maximum(gty, f1)
            x2 = jnp.minimum(gtw, f2)
            y2 = jnp.minimum(gth, f3)
            inter = (x2 - x1 + 1.0) * (y2 - y1 + 1.0)
            a2 = (f2 - f0 + 1.0) * (f3 - f1 + 1.0)
            iou = inter / (a1 + a2 - inter)
            if best_iou is None:
                best_iou = iou
            else:
                take = iou > best_iou
                best = jnp.where(take, a, best)
                best_iou = jnp.where(take, iou, best_iou)

        chbase = best * 25
        d0 = gat(chbase)
        d1 = gat(chbase + 1)
        d2 = gat(chbase + 2)
        d3 = gat(chbase + 3)
        d4 = gat(chbase + 4)
        dc = gat(chbase + 5 + cls)
        scw = jnp.full((_L,), _SC_WH[0][0], jnp.float32)
        sch = jnp.full((_L,), _SC_WH[0][1], jnp.float32)
        for a in range(1, _NA):
            scw = jnp.where(best == a, _SC_WH[a][0], scw)
            sch = jnp.where(best == a, _SC_WH[a][1], sch)
        d2 = d2 * scw
        d3 = d3 * sch

        td = 5.0 * (gtx * d0 + gty * d1 + gtw * d2 + gth * d3) + d4 + dc
        t2 = 25.0 * (gtx * gtx + gty * gty + gtw * gtw + gth * gth) + 2.0

        key = cell * _NA + best
        keybuf[...] = key
        invalid = iota >= 8
        for s in range(1, 8):
            shifted = plsc.load_gather(keybuf, [jnp.minimum(iota + s, _L - 1)])
            invalid = invalid | ((shifted == key) & (iota + s < 8))
        return acc + jnp.where(invalid, 0.0, t2 - 2.0 * td)

    acc = lax.fori_loop(0, _BPW, corr_body, jnp.zeros((_L,), jnp.float32))

    accbuf[...] = acc
    pltpu.sync_copy(accbuf, out_hbm.at[wid])


_sc_call = pl.kernel(
    _sc_body,
    out_type=jax.ShapeDtypeStruct((_NW, _L), jnp.float32),
    mesh=plsc.VectorSubcoreMesh(core_axis_name="c", subcore_axis_name="s"),
    compiler_params=pltpu.CompilerParams(needs_layout_passes=False),
    scratch_types=[
        pltpu.VMEM((_NW, 128), jnp.int32),
        pltpu.VMEM((_NW,), jnp.int32),
        pltpu.VMEM((_BPW, 32), jnp.float32),
        pltpu.VMEM((_BPW, 8), jnp.int32),
        pltpu.VMEM((_L,), jnp.int32),
        pltpu.VMEM((_L,), jnp.float32),
        pltpu.SemaphoreType.DMA,
        pltpu.SemaphoreType.DMA,
        pltpu.SemaphoreType.DMA,
    ],
)


@jax.jit
def kernel(detection_result, gt_xywh, gt_class):
    det_t = jnp.transpose(detection_result, (2, 3, 0, 1))
    ssq, det_p = pl.pallas_call(
        _tc_body,
        grid=(_GRID,),
        in_specs=[
            pl.BlockSpec((1, _GRID, _B, _CH), lambda i: (i, 0, 0, 0)),
            pl.BlockSpec((1, _CH), lambda i: (0, 0)),
        ],
        out_specs=[
            pl.BlockSpec((1, 1), lambda i: (0, 0)),
            pl.BlockSpec((1, _GRID, 64, 128), lambda i: (i, 0, 0, 0)),
        ],
        out_shape=[
            jax.ShapeDtypeStruct((1, 1), jnp.float32),
            jax.ShapeDtypeStruct((_GRID, _GRID, 64, 128), jnp.int32),
        ],
    )(det_t, jnp.asarray(_SCALE_SQ))

    det_ct = det_p.reshape(_CELLS * 64, 128)
    gt2 = gt_xywh.reshape(_B, 32)
    partials = _sc_call(det_ct, gt2, gt_class.astype(jnp.int32))
    return (ssq[0, 0] + jnp.sum(partials)) * (1.0 / _N_TOTAL)

# --- scband reference (transcript-rebuilt; emitter-appended) ---
"""Pipeline reference for scband-detection-loss-30743375904796 (READ-ONLY COPY).

The authoritative reference and input builder live on the scoring server;
editing this copy changes nothing except your own understanding.
"""

import jax, jax.numpy as jnp
import numpy as np

ANCHORS = jnp.array([1.3221, 1.73145, 3.19275, 4.00944, 5.05587,
                     8.09892, 9.47112, 4.84053, 11.2364, 10.0071], dtype=jnp.float32)
GRID = 13
NUM_CLASS = 20
NUM_ANCHORS = 5


def setup_inputs(seed: int = 0) -> dict:
    key = jax.random.key(seed)
    k1, k2, k3 = jax.random.split(key, 3)
    detection_result = jax.random.normal(k1, (128, 125, 13, 13), dtype=jnp.float32)
    gt_xywh = jax.random.uniform(k2, (128, 8, 4), dtype=jnp.float32)
    gt_class = jax.random.randint(k3, (128, 8), 0, 20)
    return {"detection_result": detection_result, "gt_xywh": gt_xywh, "gt_class": gt_class}


def _forward(detection_result, gt_xywh, gt_class):
    B = detection_result.shape[0]
    O = gt_xywh.shape[1]
    # scale w,h channels per anchor: det[:, a*25+2] *= anchors[2a]/grid; det[:, a*25+3] *= anchors[2a+1]/grid
    scale = jnp.ones((125,), dtype=jnp.float32)
    for a in range(NUM_ANCHORS):
        scale = scale.at[a * 25 + 2].set(ANCHORS[2 * a] / GRID)
        scale = scale.at[a * 25 + 3].set(ANCHORS[2 * a + 1] / GRID)
    det = detection_result * scale[None, :, None, None]

    x = gt_xywh[..., 0]
    y = gt_xywh[..., 1]
    gx = jnp.clip((x * GRID).astype(jnp.int32), 0, GRID - 1)
    gy = jnp.clip((y * GRID).astype(jnp.int32), 0, GRID - 1)

    # gather predicted boxes at each gt cell: [B, O, 125] -> [B, O, 5 anchors, 4 coords]
    feats = det[jnp.arange(B)[:, None], :, gx, gy]
    ab = feats.reshape(B, O, NUM_ANCHORS, 25)[..., :4]

    # compute_ious faithful to original (uses +1 corner-style formula on xywh values)
    x1 = jnp.maximum(gt_xywh[..., 0:1], ab[..., 0])
    y1 = jnp.maximum(gt_xywh[..., 1:2], ab[..., 1])
    x2 = jnp.minimum(gt_xywh[..., 2:3], ab[..., 2])
    y2 = jnp.minimum(gt_xywh[..., 3:4], ab[..., 3])
    inter = (x2 - x1 + 1.0) * (y2 - y1 + 1.0)
    a1 = (gt_xywh[..., 2] - gt_xywh[..., 0] + 1.0) * (gt_xywh[..., 3] - gt_xywh[..., 1] + 1.0)
    a2 = (ab[..., 2] - ab[..., 0] + 1.0) * (ab[..., 3] - ab[..., 1] + 1.0)
    iou = inter / (a1[..., None] + a2 - inter)
    best = jnp.argmax(iou, axis=-1)  # [B, O] best anchor per gt object

    onehot = jax.nn.one_hot(gt_class, NUM_CLASS, dtype=jnp.float32)
    vals = jnp.concatenate([gt_xywh, jnp.ones((B, O, 1), jnp.float32), onehot], axis=-1)  # [B,O,25]
    wvals = jnp.array([5.0, 5.0, 5.0, 5.0, 1.0] + [1.0] * NUM_CLASS, dtype=jnp.float32)  # [25]

    ch = best[..., None] * 25 + jnp.arange(25)  # [B,O,25]
    bidx = jnp.arange(B)[:, None, None]
    gt_grid = jnp.zeros((B, 125, GRID, GRID), jnp.float32)
    weight_grid = jnp.zeros((B, 125, GRID, GRID), jnp.float32)
    gt_grid = gt_grid.at[bidx, ch, gx[..., None], gy[..., None]].set(vals)
    weight_grid = weight_grid.at[bidx, ch, gx[..., None], gy[..., None]].set(
        jnp.broadcast_to(wvals, (B, O, 25)))

    # confidence weights: cells with no object get 0.5
    conf = weight_grid[:, 4::25, :, :]
    conf = jnp.where(conf != 1.0, 0.5, conf)
    weight_grid = weight_grid.at[:, 4::25, :, :].set(conf)

    loss = jnp.mean((weight_grid * gt_grid - det) ** 2)
    return loss


def reference(detection_result, gt_xywh, gt_class):
    return _forward(detection_result, gt_xywh, gt_class)

if __name__ == "__main__":
    import jax
    _d = setup_inputs()
    print(jax.jit(kernel)(*tuple(_d.values())))

</pallas_src>

<mosaic_0001>
#map = affine_map<(d0, d1) -> (0, 0)>
module attributes {stable_mosaic.version = 14 : i64} {
  func.func @_sc_body(%arg0: i32, %arg1: i32, %arg2: memref<10816x128xi32, #tpu.memory_space<hbm>>, %arg3: memref<128x32xf32, #tpu.memory_space<hbm>>, %arg4: memref<128x8xi32, #tpu.memory_space<hbm>>, %arg5: memref<32x16xf32, #tpu.memory_space<hbm>>, %arg6: memref<32x128xi32, #tpu.memory_space<vmem>>, %arg7: memref<32xi32, #tpu.memory_space<vmem>>, %arg8: memref<4x32xf32, #tpu.memory_space<vmem>>, %arg9: memref<4x8xi32, #tpu.memory_space<vmem>>, %arg10: memref<16xi32, #tpu.memory_space<vmem>>, %arg11: memref<16xf32, #tpu.memory_space<vmem>>, %arg12: memref<!tpu.dma_semaphore, #tpu.memory_space<semaphore_mem>>, %arg13: memref<!tpu.dma_semaphore, #tpu.memory_space<semaphore_mem>>, %arg14: memref<!tpu.dma_semaphore, #tpu.memory_space<semaphore_mem>>) attributes {dimension_semantics = [#tpu.dimension_semantics<core_parallel>, #tpu.dimension_semantics<subcore_parallel>], iteration_bounds = array<i64: 2, 16>, scalar_prefetch = 0 : i64, scratch_operands = 9 : i64, tpu.core_type = #tpu.core_type<sc_vector_subcore>, window_params = [{transform_indices = #map}, {transform_indices = #map}, {transform_indices = #map}, {transform_indices = #map}]} {
    %mul3A = arith.constant 2 : i32
    %mul3A_0 = arith.muli %arg1, %mul3A : i32
    %add3A = arith.addi %mul3A_0, %arg0 : i32
    %mul3A_1 = arith.constant 4 : i32
    %mul3A_2 = arith.muli %add3A, %mul3A_1 : i32
    %iota3A = tpu.iota {dimensions = array<i32: 0>} : vector<16xi32>
    %lt3A = arith.constant 8 : i32
    %lt3A_3 = vector.broadcast %lt3A : i32 to vector<16xi32>
    %lt3A_4 = arith.cmpi slt, %iota3A, %lt3A_3 : vector<16xi32>
    %min3A = arith.constant 7 : i32
    %min3A_5 = vector.broadcast %min3A : i32 to vector<16xi32>
    %min3A_6 = arith.minsi %iota3A, %min3A_5 : vector<16xi32>
    %dma_start3A = arith.constant 0 : i32
    %dma_start3A_7 = tpu.memref_slice %arg3[%mul3A_2, %dma_start3A] : memref<128x32xf32, #tpu.memory_space<hbm>> -> memref<4x32xf32, #tpu.memory_space<hbm>>
    %dma_start3A_8 = arith.constant 0 : i32
    %dma_start3A_9 = tpu.memref_slice %arg3[%mul3A_2, %dma_start3A_8] : memref<128x32xf32, #tpu.memory_space<hbm>> -> memref<4x32xf32, #tpu.memory_space<hbm>>
    tpu.enqueue_dma source(%dma_start3A_9 : memref<4x32xf32, #tpu.memory_space<hbm>>) target(%arg8 : memref<4x32xf32, #tpu.memory_space<vmem>>) target_semaphore(%arg12 : memref<!tpu.dma_semaphore, #tpu.memory_space<semaphore_mem>>)
    %dma_start3A_10 = arith.constant 0 : i32
    %dma_start3A_11 = tpu.memref_slice %arg4[%mul3A_2, %dma_start3A_10] : memref<128x8xi32, #tpu.memory_space<hbm>> -> memref<4x8xi32, #tpu.memory_space<hbm>>
    %dma_start3A_12 = arith.constant 0 : i32
    %dma_start3A_13 = tpu.memref_slice %arg4[%mul3A_2, %dma_start3A_12] : memref<128x8xi32, #tpu.memory_space<hbm>> -> memref<4x8xi32, #tpu.memory_space<hbm>>
    tpu.enqueue_dma source(%dma_start3A_13 : memref<4x8xi32, #tpu.memory_space<hbm>>) target(%arg9 : memref<4x8xi32, #tpu.memory_space<vmem>>) target_semaphore(%arg13 : memref<!tpu.dma_semaphore, #tpu.memory_space<semaphore_mem>>)
    %dma_wait3A = arith.constant 0 : i32
    %dma_wait3A_14 = tpu.memref_slice %arg3[%mul3A_2, %dma_wait3A] : memref<128x32xf32, #tpu.memory_space<hbm>> -> memref<4x32xf32, #tpu.memory_space<hbm>>
    %dma_wait3A_15 = arith.constant 0 : i32
    %dma_wait3A_16 = tpu.memref_slice %arg3[%mul3A_2, %dma_wait3A_15] : memref<128x32xf32, #tpu.memory_space<hbm>> -> memref<4x32xf32, #tpu.memory_space<hbm>>
    tpu.wait_dma2 semaphore(%arg12 : memref<!tpu.dma_semaphore, #tpu.memory_space<semaphore_mem>>) src(%dma_wait3A_16 : memref<4x32xf32, #tpu.memory_space<hbm>>) dst(%arg8 : memref<4x32xf32, #tpu.memory_space<vmem>>)
    %dma_wait3A_17 = arith.constant 0 : i32
    %dma_wait3A_18 = tpu.memref_slice %arg4[%mul3A_2, %dma_wait3A_17] : memref<128x8xi32, #tpu.memory_space<hbm>> -> memref<4x8xi32, #tpu.memory_space<hbm>>
    %dma_wait3A_19 = arith.constant 0 : i32
    %dma_wait3A_20 = tpu.memref_slice %arg4[%mul3A_2, %dma_wait3A_19] : memref<128x8xi32, #tpu.memory_space<hbm>> -> memref<4x8xi32, #tpu.memory_space<hbm>>
    tpu.wait_dma2 semaphore(%arg13 : memref<!tpu.dma_semaphore, #tpu.memory_space<semaphore_mem>>) src(%dma_wait3A_20 : memref<4x8xi32, #tpu.memory_space<hbm>>) dst(%arg9 : memref<4x8xi32, #tpu.memory_space<vmem>>)
    %scan3A = arith.constant 0 : i32
    %scan3A_21 = arith.constant 0 : i32
    %scan3A_22 = arith.constant 4 : i32
    %scan3A_23 = arith.addi %scan3A_21, %scan3A_22 : i32
    %scan3A_24 = arith.constant 1 : i32
    scf.for %scan3A_40 = %scan3A_21 to %scan3A_23 step %scan3A_24  : i32 {
      %broadcast_in_dim3A_41 = vector.broadcast %scan3A_40 : i32 to vector<16xi32>
      %mul3A_42 = arith.constant 4 : i32
      %mul3A_43 = vector.broadcast %mul3A_42 : i32 to vector<16xi32>
      %mul3A_44 = arith.muli %min3A_6, %mul3A_43 : vector<16xi32>
      %gather3A = tpu.vector_load_idx %arg8[%broadcast_in_dim3A_41, %mul3A_44] : memref<4x32xf32, #tpu.memory_space<vmem>>[vector<16xi32>, vector<16xi32>], vector<16xf32>,
      %mul3A_45 = arith.constant 4 : i32
      %mul3A_46 = vector.broadcast %mul3A_45 : i32 to vector<16xi32>
      %mul3A_47 = arith.muli %min3A_6, %mul3A_46 : vector<16xi32>
      %add3A_48 = arith.constant 1 : i32
      %add3A_49 = vector.broadcast %add3A_48 : i32 to vector<16xi32>
      %add3A_50 = arith.addi %mul3A_47, %add3A_49 : vector<16xi32>
      %gather3A_51 = tpu.vector_load_idx %arg8[%broadcast_in_dim3A_41, %add3A_50] : memref<4x32xf32, #tpu.memory_space<vmem>>[vector<16xi32>, vector<16xi32>], vector<16xf32>,
      %mul3A_52 = arith.constant 1.300000e+01 : f32
      %mul3A_53 = vector.broadcast %mul3A_52 : f32 to vector<16xf32>
      %mul3A_54 = arith.mulf %gather3A, %mul3A_53 : vector<16xf32>
      %convert_element_type3A = arith.fptosi %mul3A_54 : vector<16xf32> to vector<16xi32>
      %jit3A = arith.constant 0 : i32
      %jit3A_55 = arith.constant 12 : i32
      %max3A = vector.broadcast %jit3A : i32 to vector<16xi32>
      %max3A_56 = arith.maxsi %max3A, %convert_element_type3A : vector<16xi32>
      %min3A_57 = vector.broadcast %jit3A_55 : i32 to vector<16xi32>
      %min3A_58 = arith.minsi %min3A_57, %max3A_56 : vector<16xi32>
      %mul3A_59 = arith.constant 1.300000e+01 : f32
      %mul3A_60 = vector.broadcast %mul3A_59 : f32 to vector<16xf32>
      %mul3A_61 = arith.mulf %gather3A_51, %mul3A_60 : vector<16xf32>
      %convert_element_type3A_62 = arith.fptosi %mul3A_61 : vector<16xf32> to vector<16xi32>
      %jit3A_63 = arith.constant 0 : i32
      %jit3A_64 = arith.constant 12 : i32
      %max3A_65 = vector.broadcast %jit3A_63 : i32 to vector<16xi32>
      %max3A_66 = arith.maxsi %max3A_65, %convert_element_type3A_62 : vector<16xi32>
      %min3A_67 = vector.broadcast %jit3A_64 : i32 to vector<16xi32>
      %min3A_68 = arith.minsi %min3A_67, %max3A_66 : vector<16xi32>
      %mul3A_69 = arith.constant 13 : i32
      %mul3A_70 = vector.broadcast %mul3A_69 : i32 to vector<16xi32>
      %mul3A_71 = arith.muli %min3A_58, %mul3A_70 : vector<16xi32>
      %add3A_72 = arith.addi %mul3A_71, %min3A_68 : vector<16xi32>
      %mul3A_73 = arith.constant 8 : i32
      %mul3A_74 = arith.muli %scan3A_40, %mul3A_73 : i32
      %add3A_75 = vector.broadcast %mul3A_74 : i32 to vector<16xi32>
      %add3A_76 = arith.addi %add3A_75, %min3A_6 : vector<16xi32>
      %mul3A_77 = arith.constant 64 : i32
      %mul3A_78 = vector.broadcast %mul3A_77 : i32 to vector<16xi32>
      %mul3A_79 = arith.muli %add3A_72, %mul3A_78 : vector<16xi32>
      %add3A_80 = arith.addi %mul3A_2, %scan3A_40 : i32
      %rem3A = arith.constant 64 : i32
      %rem3A_81 = arith.remsi %add3A_80, %rem3A : i32
      %add3A_82 = vector.broadcast %rem3A_81 : i32 to vector<16xi32>
      %add3A_83 = arith.addi %mul3A_79, %add3A_82 : vector<16xi32>
      tpu.vector_store_idx %arg7[%add3A_76], %add3A_83 masked %lt3A_4 : memref<32xi32, #tpu.memory_space<vmem>>[vector<16xi32>], vector<16xi32>, vector<16xi1>
    }
    %scan3A_25 = arith.constant 4 : i32
    %dma_start3A_26 = arith.constant 0 : i32
    %dma_start3A_27 = arith.constant 0 : i32
    %dma_start3A_28 = tpu.memref_slice %arg2[%dma_start3A_26, %dma_start3A_27] : memref<10816x128xi32, #tpu.memory_space<hbm>> -> memref<10816x128xi32, #tpu.memory_space<hbm>>
    tpu.enqueue_indirect_dma source(%dma_start3A_28 : memref<10816x128xi32, #tpu.memory_space<hbm>>) target(%arg6 : memref<32x128xi32, #tpu.memory_space<vmem>>) offsets(%arg7 : memref<32xi32, #tpu.memory_space<vmem>>) semaphore(%arg14 : memref<!tpu.dma_semaphore, #tpu.memory_space<semaphore_mem>>)
    %dma_wait3A_29 = arith.constant 0 : i32
    %dma_wait3A_30 = arith.constant 0 : i32
    %dma_wait3A_31 = tpu.memref_slice %arg2[%dma_wait3A_29, %dma_wait3A_30] : memref<10816x128xi32, #tpu.memory_space<hbm>> -> memref<10816x128xi32, #tpu.memory_space<hbm>>
    tpu.wait_indirect_dma semaphore(%arg14 : memref<!tpu.dma_semaphore, #tpu.memory_space<semaphore_mem>>) src(%dma_wait3A_31 : memref<10816x128xi32, #tpu.memory_space<hbm>>) dst(%arg6 : memref<32x128xi32, #tpu.memory_space<vmem>>)
    %broadcast_in_dim3A = arith.constant 0.000000e+00 : f32
    %broadcast_in_dim3A_32 = vector.broadcast %broadcast_in_dim3A : f32 to vector<16xf32>
    %scan3A_33 = arith.constant 0 : i32
    %scan3A_34 = arith.constant 4 : i32
    %scan3A_35 = arith.addi %scan3A_33, %scan3A_34 : i32
    %scan3A_36 = arith.constant 1 : i32
    %scan3A_37 = scf.for %scan3A_40 = %scan3A_33 to %scan3A_35 step %scan3A_36 iter_args(%scan3A_41 = %broadcast_in_dim3A_32) -> (vector<16xf32>)  : i32 {
      %broadcast_in_dim3A_42 = vector.broadcast %scan3A_40 : i32 to vector<16xi32>
      %mul3A_43 = arith.constant 4 : i32
      %mul3A_44 = vector.broadcast %mul3A_43 : i32 to vector<16xi32>
      %mul3A_45 = arith.muli %min3A_6, %mul3A_44 : vector<16xi32>
      %gather3A = tpu.vector_load_idx %arg8[%broadcast_in_dim3A_42, %mul3A_45] : memref<4x32xf32, #tpu.memory_space<vmem>>[vector<16xi32>, vector<16xi32>], vector<16xf32>,
      %mul3A_46 = arith.constant 4 : i32
      %mul3A_47 = vector.broadcast %mul3A_46 : i32 to vector<16xi32>
      %mul3A_48 = arith.muli %min3A_6, %mul3A_47 : vector<16xi32>
      %add3A_49 = arith.constant 1 : i32
      %add3A_50 = vector.broadcast %add3A_49 : i32 to vector<16xi32>
      %add3A_51 = arith.addi %mul3A_48, %add3A_50 : vector<16xi32>
      %gather3A_52 = tpu.vector_load_idx %arg8[%broadcast_in_dim3A_42, %add3A_51] : memref<4x32xf32, #tpu.memory_space<vmem>>[vector<16xi32>, vector<16xi32>], vector<16xf32>,
      %mul3A_53 = arith.constant 4 : i32
      %mul3A_54 = vector.broadcast %mul3A_53 : i32 to vector<16xi32>
      %mul3A_55 = arith.muli %min3A_6, %mul3A_54 : vector<16xi32>
      %add3A_56 = arith.constant 2 : i32
      %add3A_57 = vector.broadcast %add3A_56 : i32 to vector<16xi32>
      %add3A_58 = arith.addi %mul3A_55, %add3A_57 : vector<16xi32>
      %gather3A_59 = tpu.vector_load_idx %arg8[%broadcast_in_dim3A_42, %add3A_58] : memref<4x32xf32, #tpu.memory_space<vmem>>[vector<16xi32>, vector<16xi32>], vector<16xf32>,
      %mul3A_60 = arith.constant 4 : i32
      %mul3A_61 = vector.broadcast %mul3A_60 : i32 to vector<16xi32>
      %mul3A_62 = arith.muli %min3A_6, %mul3A_61 : vector<16xi32>
      %add3A_63 = arith.constant 3 : i32
      %add3A_64 = vector.broadcast %add3A_63 : i32 to vector<16xi32>
      %add3A_65 = arith.addi %mul3A_62, %add3A_64 : vector<16xi32>
      %gather3A_66 = tpu.vector_load_idx %arg8[%broadcast_in_dim3A_42, %add3A_65] : memref<4x32xf32, #tpu.memory_space<vmem>>[vector<16xi32>, vector<16xi32>], vector<16xf32>,
      %mul3A_67 = arith.constant 8 : i32
      %mul3A_68 = arith.muli %scan3A_40, %mul3A_67 : i32
      %add3A_69 = vector.broadcast %mul3A_68 : i32 to vector<16xi32>
      %add3A_70 = arith.addi %add3A_69, %min3A_6 : vector<16xi32>
      %gather3A_71 = tpu.vector_load_idx %arg7[%add3A_70] : memref<32xi32, #tpu.memory_space<vmem>>[vector<16xi32>], vector<16xi32>,
      %jit3A = arith.constant 64 : i32
      %div3A = vector.broadcast %jit3A : i32 to vector<16xi32>
      %div3A_72 = arith.divsi %gather3A_71, %div3A : vector<16xi32>
      %sign3A = arith.constant 0 : i32
      %sign3A_73 = vector.broadcast %sign3A : i32 to vector<16xi32>
      %sign3A_74 = arith.cmpi sgt, %gather3A_71, %sign3A_73 : vector<16xi32>
      %sign3A_75 = arith.extui %sign3A_74 : vector<16xi1> to vector<16xi32>
      %sign3A_76 = arith.constant 0 : i32
      %sign3A_77 = vector.broadcast %sign3A_76 : i32 to vector<16xi32>
      %sign3A_78 = arith.cmpi slt, %gather3A_71, %sign3A_77 : vector<16xi32>
      %sign3A_79 = arith.extui %sign3A_78 : vector<16xi1> to vector<16xi32>
      %sign3A_80 = arith.subi %sign3A_75, %sign3A_79 : vector<16xi32>
      %sign3A_81 = arith.constant 0 : i32
      %sign3A_82 = arith.cmpi sgt, %jit3A, %sign3A_81 : i32
      %sign3A_83 = arith.extui %sign3A_82 : i1 to i32
      %sign3A_84 = arith.constant 0 : i32
      %sign3A_85 = arith.cmpi slt, %jit3A, %sign3A_84 : i32
      %sign3A_86 = arith.extui %sign3A_85 : i1 to i32
      %sign3A_87 = arith.subi %sign3A_83, %sign3A_86 : i32
      %ne3A = vector.broadcast %sign3A_87 : i32 to vector<16xi32>
      %ne3A_88 = arith.cmpi ne, %sign3A_80, %ne3A : vector<16xi32>
      %rem3A = vector.broadcast %jit3A : i32 to vector<16xi32>
      %rem3A_89 = arith.remsi %gather3A_71, %rem3A : vector<16xi32>
      %ne3A_90 = arith.constant 0 : i32
      %ne3A_91 = vector.broadcast %ne3A_90 : i32 to vector<16xi32>
      %ne3A_92 = arith.cmpi ne, %rem3A_89, %ne3A_91 : vector<16xi32>
      %and3A = arith.andi %ne3A_88, %ne3A_92 : vector<16xi1>
      %sub3A = arith.constant 1 : i32
      %sub3A_93 = vector.broadcast %sub3A : i32 to vector<16xi32>
      %sub3A_94 = arith.subi %div3A_72, %sub3A_93 : vector<16xi32>
      %select_n3A = arith.select %and3A, %sub3A_94, %div3A_72 : vector<16xi1>, vector<16xi32>
      %gather3A_95 = tpu.vector_load_idx %arg9[%broadcast_in_dim3A_42, %min3A_6] : memref<4x8xi32, #tpu.memory_space<vmem>>[vector<16xi32>, vector<16xi32>], vector<16xi32>,
      %mul3A_96 = arith.constant 8 : i32
      %mul3A_97 = arith.muli %scan3A_40, %mul3A_96 : i32
      %add3A_98 = vector.broadcast %mul3A_97 : i32 to vector<16xi32>
      %add3A_99 = arith.addi %add3A_98, %min3A_6 : vector<16xi32>
      %add3A_100 = arith.addi %mul3A_2, %scan3A_40 : i32
      %ge3A = arith.constant 64 : i32
      %ge3A_101 = arith.cmpi sge, %add3A_100, %ge3A : i32
      %sub3A_102 = arith.subf %gather3A_59, %gather3A : vector<16xf32>
      %add3A_103 = arith.constant 1.000000e+00 : f32
      %add3A_104 = vector.broadcast %add3A_103 : f32 to vector<16xf32>
      %add3A_105 = arith.addf %sub3A_102, %add3A_104 : vector<16xf32>
      %sub3A_106 = arith.subf %gather3A_66, %gather3A_52 : vector<16xf32>
      %add3A_107 = arith.constant 1.000000e+00 : f32
      %add3A_108 = vector.broadcast %add3A_107 : f32 to vector<16xf32>
      %add3A_109 = arith.addf %sub3A_106, %add3A_108 : vector<16xf32>
      %mul3A_110 = arith.mulf %add3A_105, %add3A_109 : vector<16xf32>
      %broadcast_in_dim3A_111 = arith.constant 0 : i32
      %broadcast_in_dim3A_112 = vector.broadcast %broadcast_in_dim3A_111 : i32 to vector<16xi32>
      %broadcast_in_dim3A_113 = arith.constant 0 : i32
      %broadcast_in_dim3A_114 = vector.broadcast %broadcast_in_dim3A_113 : i32 to vector<16xi32>
      %gather3A_115 = tpu.vector_load_idx %arg6[%add3A_99, %broadcast_in_dim3A_114] : memref<32x128xi32, #tpu.memory_space<vmem>>[vector<16xi32>, vector<16xi32>], vector<16xi32>,
      %and3A_116 = arith.constant -65536 : i32
      %and3A_117 = vector.broadcast %and3A_116 : i32 to vector<16xi32>
      %and3A_118 = arith.andi %gather3A_115, %and3A_117 : vector<16xi32>
      %shift_left3A = arith.constant 16 : i32
      %shift_left3A_119 = vector.broadcast %shift_left3A : i32 to vector<16xi32>
      %shift_left3A_120 = arith.shli %gather3A_115, %shift_left3A_119 : vector<16xi32>
      %select_n3A_121 = arith.select %ge3A_101, %and3A_118, %shift_left3A_120 : vector<16xi32>
      %bitcast3A = vector.bitcast %select_n3A_121 : vector<16xi32> to vector<16xf32>
      %broadcast_in_dim3A_122 = arith.constant 1 : i32
      %broadcast_in_dim3A_123 = vector.broadcast %broadcast_in_dim3A_122 : i32 to vector<16xi32>
      %gather3A_124 = tpu.vector_load_idx %arg6[%add3A_99, %broadcast_in_dim3A_123] : memref<32x128xi32, #tpu.memory_space<vmem>>[vector<16xi32>, vector<16xi32>], vector<16xi32>,
      %and3A_125 = arith.constant -65536 : i32
      %and3A_126 = vector.broadcast %and3A_125 : i32 to vector<16xi32>
      %and3A_127 = arith.andi %gather3A_124, %and3A_126 : vector<16xi32>
      %shift_left3A_128 = arith.constant 16 : i32
      %shift_left3A_129 = vector.broadcast %shift_left3A_128 : i32 to vector<16xi32>
      %shift_left3A_130 = arith.shli %gather3A_124, %shift_left3A_129 : vector<16xi32>
      %select_n3A_131 = arith.select %ge3A_101, %and3A_127, %shift_left3A_130 : vector<16xi32>
      %bitcast3A_132 = vector.bitcast %select_n3A_131 : vector<16xi32> to vector<16xf32>
      %broadcast_in_dim3A_133 = arith.constant 2 : i32
      %broadcast_in_dim3A_134 = vector.broadcast %broadcast_in_dim3A_133 : i32 to vector<16xi32>
      %gather3A_135 = tpu.vector_load_idx %arg6[%add3A_99, %broadcast_in_dim3A_134] : memref<32x128xi32, #tpu.memory_space<vmem>>[vector<16xi32>, vector<16xi32>], vector<16xi32>,
      %and3A_136 = arith.constant -65536 : i32
      %and3A_137 = vector.broadcast %and3A_136 : i32 to vector<16xi32>
      %and3A_138 = arith.andi %gather3A_135, %and3A_137 : vector<16xi32>
      %shift_left3A_139 = arith.constant 16 : i32
      %shift_left3A_140 = vector.broadcast %shift_left3A_139 : i32 to vector<16xi32>
      %shift_left3A_141 = arith.shli %gather3A_135, %shift_left3A_140 : vector<16xi32>
      %select_n3A_142 = arith.select %ge3A_101, %and3A_138, %shift_left3A_141 : vector<16xi32>
      %bitcast3A_143 = vector.bitcast %select_n3A_142 : vector<16xi32> to vector<16xf32>
      %mul3A_144 = arith.constant 1.017000e-01 : f32
      %mul3A_145 = vector.broadcast %mul3A_144 : f32 to vector<16xf32>
      %mul3A_146 = arith.mulf %bitcast3A_143, %mul3A_145 : vector<16xf32>
      %broadcast_in_dim3A_147 = arith.constant 3 : i32
      %broadcast_in_dim3A_148 = vector.broadcast %broadcast_in_dim3A_147 : i32 to vector<16xi32>
      %gather3A_149 = tpu.vector_load_idx %arg6[%add3A_99, %broadcast_in_dim3A_148] : memref<32x128xi32, #tpu.memory_space<vmem>>[vector<16xi32>, vector<16xi32>], vector<16xi32>,
      %and3A_150 = arith.constant -65536 : i32
      %and3A_151 = vector.broadcast %and3A_150 : i32 to vector<16xi32>
      %and3A_152 = arith.andi %gather3A_149, %and3A_151 : vector<16xi32>
      %shift_left3A_153 = arith.constant 16 : i32
      %shift_left3A_154 = vector.broadcast %shift_left3A_153 : i32 to vector<16xi32>
      %shift_left3A_155 = arith.shli %gather3A_149, %shift_left3A_154 : vector<16xi32>
      %select_n3A_156 = arith.select %ge3A_101, %and3A_152, %shift_left3A_155 : vector<16xi32>
      %bitcast3A_157 = vector.bitcast %select_n3A_156 : vector<16xi32> to vector<16xf32>
      %mul3A_158 = arith.constant 0.133188456 : f32
      %mul3A_159 = vector.broadcast %mul3A_158 : f32 to vector<16xf32>
      %mul3A_160 = arith.mulf %bitcast3A_157, %mul3A_159 : vector<16xf32>
      %max3A = arith.maximumf %gather3A, %bitcast3A : vector<16xf32>
      %max3A_161 = arith.maximumf %gather3A_52, %bitcast3A_132 : vector<16xf32>
      %min3A_162 = arith.minimumf %gather3A_59, %mul3A_146 : vector<16xf32>
      %min3A_163 = arith.minimumf %gather3A_66, %mul3A_160 : vector<16xf32>
      %sub3A_164 = arith.subf %min3A_162, %max3A : vector<16xf32>
      %add3A_165 = arith.constant 1.000000e+00 : f32
      %add3A_166 = vector.broadcast %add3A_165 : f32 to vector<16xf32>
      %add3A_167 = arith.addf %sub3A_164, %add3A_166 : vector<16xf32>
      %sub3A_168 = arith.subf %min3A_163, %max3A_161 : vector<16xf32>
      %add3A_169 = arith.constant 1.000000e+00 : f32
      %add3A_170 = vector.broadcast %add3A_169 : f32 to vector<16xf32>
      %add3A_171 = arith.addf %sub3A_168, %add3A_170 : vector<16xf32>
      %mul3A_172 = arith.mulf %add3A_167, %add3A_171 : vector<16xf32>
      %sub3A_173 = arith.subf %mul3A_146, %bitcast3A : vector<16xf32>
      %add3A_174 = arith.constant 1.000000e+00 : f32
      %add3A_175 = vector.broadcast %add3A_174 : f32 to vector<16xf32>
      %add3A_176 = arith.addf %sub3A_173, %add3A_175 : vector<16xf32>
      %sub3A_177 = arith.subf %mul3A_160, %bitcast3A_132 : vector<16xf32>
      %add3A_178 = arith.constant 1.000000e+00 : f32
      %add3A_179 = vector.broadcast %add3A_178 : f32 to vector<16xf32>
      %add3A_180 = arith.addf %sub3A_177, %add3A_179 : vector<16xf32>
      %mul3A_181 = arith.mulf %add3A_176, %add3A_180 : vector<16xf32>
      %add3A_182 = arith.addf %mul3A_110, %mul3A_181 : vector<16xf32>
      %sub3A_183 = arith.subf %add3A_182, %mul3A_172 : vector<16xf32>
      %div3A_184 = arith.divf %mul3A_172, %sub3A_183 : vector<16xf32>
      %broadcast_in_dim3A_185 = arith.constant 25 : i32
      %broadcast_in_dim3A_186 = vector.broadcast %broadcast_in_dim3A_185 : i32 to vector<16xi32>
      %gather3A_187 = tpu.vector_load_idx %arg6[%add3A_99, %broadcast_in_dim3A_186] : memref<32x128xi32, #tpu.memory_space<vmem>>[vector<16xi32>, vector<16xi32>], vector<16xi32>,
      %and3A_188 = arith.constant -65536 : i32
      %and3A_189 = vector.broadcast %and3A_188 : i32 to vector<16xi32>
      %and3A_190 = arith.andi %gather3A_187, %and3A_189 : vector<16xi32>
      %shift_left3A_191 = arith.constant 16 : i32
      %shift_left3A_192 = vector.broadcast %shift_left3A_191 : i32 to vector<16xi32>
      %shift_left3A_193 = arith.shli %gather3A_187, %shift_left3A_192 : vector<16xi32>
      %select_n3A_194 = arith.select %ge3A_101, %and3A_190, %shift_left3A_193 : vector<16xi32>
      %bitcast3A_195 = vector.bitcast %select_n3A_194 : vector<16xi32> to vector<16xf32>
      %broadcast_in_dim3A_196 = arith.constant 26 : i32
      %broadcast_in_dim3A_197 = vector.broadcast %broadcast_in_dim3A_196 : i32 to vector<16xi32>
      %gather3A_198 = tpu.vector_load_idx %arg6[%add3A_99, %broadcast_in_dim3A_197] : memref<32x128xi32, #tpu.memory_space<vmem>>[vector<16xi32>, vector<16xi32>], vector<16xi32>,
      %and3A_199 = arith.constant -65536 : i32
      %and3A_200 = vector.broadcast %and3A_199 : i32 to vector<16xi32>
      %and3A_201 = arith.andi %gather3A_198, %and3A_200 : vector<16xi32>
      %shift_left3A_202 = arith.constant 16 : i32
      %shift_left3A_203 = vector.broadcast %shift_left3A_202 : i32 to vector<16xi32>
      %shift_left3A_204 = arith.shli %gather3A_198, %shift_left3A_203 : vector<16xi32>
      %select_n3A_205 = arith.select %ge3A_101, %and3A_201, %shift_left3A_204 : vector<16xi32>
      %bitcast3A_206 = vector.bitcast %select_n3A_205 : vector<16xi32> to vector<16xf32>
      %broadcast_in_dim3A_207 = arith.constant 27 : i32
      %broadcast_in_dim3A_208 = vector.broadcast %broadcast_in_dim3A_207 : i32 to vector<16xi32>
      %gather3A_209 = tpu.vector_load_idx %arg6[%add3A_99, %broadcast_in_dim3A_208] : memref<32x128xi32, #tpu.memory_space<vmem>>[vector<16xi32>, vector<16xi32>], vector<16xi32>,
      %and3A_210 = arith.constant -65536 : i32
      %and3A_211 = vector.broadcast %and3A_210 : i32 to vector<16xi32>
      %and3A_212 = arith.andi %gather3A_209, %and3A_211 : vector<16xi32>
      %shift_left3A_213 = arith.constant 16 : i32
      %shift_left3A_214 = vector.broadcast %shift_left3A_213 : i32 to vector<16xi32>
      %shift_left3A_215 = arith.shli %gather3A_209, %shift_left3A_214 : vector<16xi32>
      %select_n3A_216 = arith.select %ge3A_101, %and3A_212, %shift_left3A_215 : vector<16xi32>
      %bitcast3A_217 = vector.bitcast %select_n3A_216 : vector<16xi32> to vector<16xf32>
      %mul3A_218 = arith.constant 0.245596156 : f32
      %mul3A_219 = vector.broadcast %mul3A_218 : f32 to vector<16xf32>
      %mul3A_220 = arith.mulf %bitcast3A_217, %mul3A_219 : vector<16xf32>
      %broadcast_in_dim3A_221 = arith.constant 28 : i32
      %broadcast_in_dim3A_222 = vector.broadcast %broadcast_in_dim3A_221 : i32 to vector<16xi32>
      %gather3A_223 = tpu.vector_load_idx %arg6[%add3A_99, %broadcast_in_dim3A_222] : memref<32x128xi32, #tpu.memory_space<vmem>>[vector<16xi32>, vector<16xi32>], vector<16xi32>,
      %and3A_224 = arith.constant -65536 : i32
      %and3A_225 = vector.broadcast %and3A_224 : i32 to vector<16xi32>
      %and3A_226 = arith.andi %gather3A_223, %and3A_225 : vector<16xi32>
      %shift_left3A_227 = arith.constant 16 : i32
      %shift_left3A_228 = vector.broadcast %shift_left3A_227 : i32 to vector<16xi32>
      %shift_left3A_229 = arith.shli %gather3A_223, %shift_left3A_228 : vector<16xi32>
      %select_n3A_230 = arith.select %ge3A_101, %and3A_226, %shift_left3A_229 : vector<16xi32>
      %bitcast3A_231 = vector.bitcast %select_n3A_230 : vector<16xi32> to vector<16xf32>
      %mul3A_232 = arith.constant 0.308418453 : f32
      %mul3A_233 = vector.broadcast %mul3A_232 : f32 to vector<16xf32>
      %mul3A_234 = arith.mulf %bitcast3A_231, %mul3A_233 : vector<16xf32>
      %max3A_235 = arith.maximumf %gather3A, %bitcast3A_195 : vector<16xf32>
      %max3A_236 = arith.maximumf %gather3A_52, %bitcast3A_206 : vector<16xf32>
      %min3A_237 = arith.minimumf %gather3A_59, %mul3A_220 : vector<16xf32>
      %min3A_238 = arith.minimumf %gather3A_66, %mul3A_234 : vector<16xf32>
      %sub3A_239 = arith.subf %min3A_237, %max3A_235 : vector<16xf32>
      %add3A_240 = arith.constant 1.000000e+00 : f32
      %add3A_241 = vector.broadcast %add3A_240 : f32 to vector<16xf32>
      %add3A_242 = arith.addf %sub3A_239, %add3A_241 : vector<16xf32>
      %sub3A_243 = arith.subf %min3A_238, %max3A_236 : vector<16xf32>
      %add3A_244 = arith.constant 1.000000e+00 : f32
      %add3A_245 = vector.broadcast %add3A_244 : f32 to vector<16xf32>
      %add3A_246 = arith.addf %sub3A_243, %add3A_245 : vector<16xf32>
      %mul3A_247 = arith.mulf %add3A_242, %add3A_246 : vector<16xf32>
      %sub3A_248 = arith.subf %mul3A_220, %bitcast3A_195 : vector<16xf32>
      %add3A_249 = arith.constant 1.000000e+00 : f32
      %add3A_250 = vector.broadcast %add3A_249 : f32 to vector<16xf32>
      %add3A_251 = arith.addf %sub3A_248, %add3A_250 : vector<16xf32>
      %sub3A_252 = arith.subf %mul3A_234, %bitcast3A_206 : vector<16xf32>
      %add3A_253 = arith.constant 1.000000e+00 : f32
      %add3A_254 = vector.broadcast %add3A_253 : f32 to vector<16xf32>
      %add3A_255 = arith.addf %sub3A_252, %add3A_254 : vector<16xf32>
      %mul3A_256 = arith.mulf %add3A_251, %add3A_255 : vector<16xf32>
      %add3A_257 = arith.addf %mul3A_110, %mul3A_256 : vector<16xf32>
      %sub3A_258 = arith.subf %add3A_257, %mul3A_247 : vector<16xf32>
      %div3A_259 = arith.divf %mul3A_247, %sub3A_258 : vector<16xf32>
      %gt3A = arith.cmpf ogt, %div3A_259, %div3A_184 : vector<16xf32>
      %jit3A_260 = arith.constant 1 : i32
      %broadcast_in_dim3A_261 = vector.broadcast %jit3A_260 : i32 to vector<16xi32>
      %select_n3A_262 = arith.select %gt3A, %broadcast_in_dim3A_261, %broadcast_in_dim3A_112 : vector<16xi1>, vector<16xi32>
      %select_n3A_263 = arith.select %gt3A, %div3A_259, %div3A_184 : vector<16xi1>, vector<16xf32>
      %broadcast_in_dim3A_264 = arith.constant 50 : i32
      %broadcast_in_dim3A_265 = vector.broadcast %broadcast_in_dim3A_264 : i32 to vector<16xi32>
      %gather3A_266 = tpu.vector_load_idx %arg6[%add3A_99, %broadcast_in_dim3A_265] : memref<32x128xi32, #tpu.memory_space<vmem>>[vector<16xi32>, vector<16xi32>], vector<16xi32>,
      %and3A_267 = arith.constant -65536 : i32
      %and3A_268 = vector.broadcast %and3A_267 : i32 to vector<16xi32>
      %and3A_269 = arith.andi %gather3A_266, %and3A_268 : vector<16xi32>
      %shift_left3A_270 = arith.constant 16 : i32
      %shift_left3A_271 = vector.broadcast %shift_left3A_270 : i32 to vector<16xi32>
      %shift_left3A_272 = arith.shli %gather3A_266, %shift_left3A_271 : vector<16xi32>
      %select_n3A_273 = arith.select %ge3A_101, %and3A_269, %shift_left3A_272 : vector<16xi32>
      %bitcast3A_274 = vector.bitcast %select_n3A_273 : vector<16xi32> to vector<16xf32>
      %broadcast_in_dim3A_275 = arith.constant 51 : i32
      %broadcast_in_dim3A_276 = vector.broadcast %broadcast_in_dim3A_275 : i32 to vector<16xi32>
      %gather3A_277 = tpu.vector_load_idx %arg6[%add3A_99, %broadcast_in_dim3A_276] : memref<32x128xi32, #tpu.memory_space<vmem>>[vector<16xi32>, vector<16xi32>], vector<16xi32>,
      %and3A_278 = arith.constant -65536 : i32
      %and3A_279 = vector.broadcast %and3A_278 : i32 to vector<16xi32>
      %and3A_280 = arith.andi %gather3A_277, %and3A_279 : vector<16xi32>
      %shift_left3A_281 = arith.constant 16 : i32
      %shift_left3A_282 = vector.broadcast %shift_left3A_281 : i32 to vector<16xi32>
      %shift_left3A_283 = arith.shli %gather3A_277, %shift_left3A_282 : vector<16xi32>
      %select_n3A_284 = arith.select %ge3A_101, %and3A_280, %shift_left3A_283 : vector<16xi32>
      %bitcast3A_285 = vector.bitcast %select_n3A_284 : vector<16xi32> to vector<16xf32>
      %broadcast_in_dim3A_286 = arith.constant 52 : i32
      %broadcast_in_dim3A_287 = vector.broadcast %broadcast_in_dim3A_286 : i32 to vector<16xi32>
      %gather3A_288 = tpu.vector_load_idx %arg6[%add3A_99, %broadcast_in_dim3A_287] : memref<32x128xi32, #tpu.memory_space<vmem>>[vector<16xi32>, vector<16xi32>], vector<16xi32>,
      %and3A_289 = arith.constant -65536 : i32
      %and3A_290 = vector.broadcast %and3A_289 : i32 to vector<16xi32>
      %and3A_291 = arith.andi %gather3A_288, %and3A_290 : vector<16xi32>
      %shift_left3A_292 = arith.constant 16 : i32
      %shift_left3A_293 = vector.broadcast %shift_left3A_292 : i32 to vector<16xi32>
      %shift_left3A_294 = arith.shli %gather3A_288, %shift_left3A_293 : vector<16xi32>
      %select_n3A_295 = arith.select %ge3A_101, %and3A_291, %shift_left3A_294 : vector<16xi32>
      %bitcast3A_296 = vector.bitcast %select_n3A_295 : vector<16xi32> to vector<16xf32>
      %mul3A_297 = arith.constant 0.388913095 : f32
      %mul3A_298 = vector.broadcast %mul3A_297 : f32 to vector<16xf32>
      %mul3A_299 = arith.mulf %bitcast3A_296, %mul3A_298 : vector<16xf32>
      %broadcast_in_dim3A_300 = arith.constant 53 : i32
      %broadcast_in_dim3A_301 = vector.broadcast %broadcast_in_dim3A_300 : i32 to vector<16xi32>
      %gather3A_302 = tpu.vector_load_idx %arg6[%add3A_99, %broadcast_in_dim3A_301] : memref<32x128xi32, #tpu.memory_space<vmem>>[vector<16xi32>, vector<16xi32>], vector<16xi32>,
      %and3A_303 = arith.constant -65536 : i32
      %and3A_304 = vector.broadcast %and3A_303 : i32 to vector<16xi32>
      %and3A_305 = arith.andi %gather3A_302, %and3A_304 : vector<16xi32>
      %shift_left3A_306 = arith.constant 16 : i32
      %shift_left3A_307 = vector.broadcast %shift_left3A_306 : i32 to vector<16xi32>
      %shift_left3A_308 = arith.shli %gather3A_302, %shift_left3A_307 : vector<16xi32>
      %select_n3A_309 = arith.select %ge3A_101, %and3A_305, %shift_left3A_308 : vector<16xi32>
      %bitcast3A_310 = vector.bitcast %select_n3A_309 : vector<16xi32> to vector<16xf32>
      %mul3A_311 = arith.constant 0.622993827 : f32
      %mul3A_312 = vector.broadcast %mul3A_311 : f32 to vector<16xf32>
      %mul3A_313 = arith.mulf %bitcast3A_310, %mul3A_312 : vector<16xf32>
      %max3A_314 = arith.maximumf %gather3A, %bitcast3A_274 : vector<16xf32>
      %max3A_315 = arith.maximumf %gather3A_52, %bitcast3A_285 : vector<16xf32>
      %min3A_316 = arith.minimumf %gather3A_59, %mul3A_299 : vector<16xf32>
      %min3A_317 = arith.minimumf %gather3A_66, %mul3A_313 : vector<16xf32>
      %sub3A_318 = arith.subf %min3A_316, %max3A_314 : vector<16xf32>
      %add3A_319 = arith.constant 1.000000e+00 : f32
      %add3A_320 = vector.broadcast %add3A_319 : f32 to vector<16xf32>
      %add3A_321 = arith.addf %sub3A_318, %add3A_320 : vector<16xf32>
      %sub3A_322 = arith.subf %min3A_317, %max3A_315 : vector<16xf32>
      %add3A_323 = arith.constant 1.000000e+00 : f32
      %add3A_324 = vector.broadcast %add3A_323 : f32 to vector<16xf32>
      %add3A_325 = arith.addf %sub3A_322, %add3A_324 : vector<16xf32>
      %mul3A_326 = arith.mulf %add3A_321, %add3A_325 : vector<16xf32>
      %sub3A_327 = arith.subf %mul3A_299, %bitcast3A_274 : vector<16xf32>
      %add3A_328 = arith.constant 1.000000e+00 : f32
      %add3A_329 = vector.broadcast %add3A_328 : f32 to vector<16xf32>
      %add3A_330 = arith.addf %sub3A_327, %add3A_329 : vector<16xf32>
      %sub3A_331 = arith.subf %mul3A_313, %bitcast3A_285 : vector<16xf32>
      %add3A_332 = arith.constant 1.000000e+00 : f32
      %add3A_333 = vector.broadcast %add3A_332 : f32 to vector<16xf32>
      %add3A_334 = arith.addf %sub3A_331, %add3A_333 : vector<16xf32>
      %mul3A_335 = arith.mulf %add3A_330, %add3A_334 : vector<16xf32>
      %add3A_336 = arith.addf %mul3A_110, %mul3A_335 : vector<16xf32>
      %sub3A_337 = arith.subf %add3A_336, %mul3A_326 : vector<16xf32>
      %div3A_338 = arith.divf %mul3A_326, %sub3A_337 : vector<16xf32>
      %gt3A_339 = arith.cmpf ogt, %div3A_338, %select_n3A_263 : vector<16xf32>
      %jit3A_340 = arith.constant 2 : i32
      %broadcast_in_dim3A_341 = vector.broadcast %jit3A_340 : i32 to vector<16xi32>
      %select_n3A_342 = arith.select %gt3A_339, %broadcast_in_dim3A_341, %select_n3A_262 : vector<16xi1>, vector<16xi32>
      %select_n3A_343 = arith.select %gt3A_339, %div3A_338, %select_n3A_263 : vector<16xi1>, vector<16xf32>
      %broadcast_in_dim3A_344 = arith.constant 75 : i32
      %broadcast_in_dim3A_345 = vector.broadcast %broadcast_in_dim3A_344 : i32 to vector<16xi32>
      %gather3A_346 = tpu.vector_load_idx %arg6[%add3A_99, %broadcast_in_dim3A_345] : memref<32x128xi32, #tpu.memory_space<vmem>>[vector<16xi32>, vector<16xi32>], vector<16xi32>,
      %and3A_347 = arith.constant -65536 : i32
      %and3A_348 = vector.broadcast %and3A_347 : i32 to vector<16xi32>
      %and3A_349 = arith.andi %gather3A_346, %and3A_348 : vector<16xi32>
      %shift_left3A_350 = arith.constant 16 : i32
      %shift_left3A_351 = vector.broadcast %shift_left3A_350 : i32 to vector<16xi32>
      %shift_left3A_352 = arith.shli %gather3A_346, %shift_left3A_351 : vector<16xi32>
      %select_n3A_353 = arith.select %ge3A_101, %and3A_349, %shift_left3A_352 : vector<16xi32>
      %bitcast3A_354 = vector.bitcast %select_n3A_353 : vector<16xi32> to vector<16xf32>
      %broadcast_in_dim3A_355 = arith.constant 76 : i32
      %broadcast_in_dim3A_356 = vector.broadcast %broadcast_in_dim3A_355 : i32 to vector<16xi32>
      %gather3A_357 = tpu.vector_load_idx %arg6[%add3A_99, %broadcast_in_dim3A_356] : memref<32x128xi32, #tpu.memory_space<vmem>>[vector<16xi32>, vector<16xi32>], vector<16xi32>,
      %and3A_358 = arith.constant -65536 : i32
      %and3A_359 = vector.broadcast %and3A_358 : i32 to vector<16xi32>
      %and3A_360 = arith.andi %gather3A_357, %and3A_359 : vector<16xi32>
      %shift_left3A_361 = arith.constant 16 : i32
      %shift_left3A_362 = vector.broadcast %shift_left3A_361 : i32 to vector<16xi32>
      %shift_left3A_363 = arith.shli %gather3A_357, %shift_left3A_362 : vector<16xi32>
      %select_n3A_364 = arith.select %ge3A_101, %and3A_360, %shift_left3A_363 : vector<16xi32>
      %bitcast3A_365 = vector.bitcast %select_n3A_364 : vector<16xi32> to vector<16xf32>
      %broadcast_in_dim3A_366 = arith.constant 77 : i32
      %broadcast_in_dim3A_367 = vector.broadcast %broadcast_in_dim3A_366 : i32 to vector<16xi32>
      %gather3A_368 = tpu.vector_load_idx %arg6[%add3A_99, %broadcast_in_dim3A_367] : memref<32x128xi32, #tpu.memory_space<vmem>>[vector<16xi32>, vector<16xi32>], vector<16xi32>,
      %and3A_369 = arith.constant -65536 : i32
      %and3A_370 = vector.broadcast %and3A_369 : i32 to vector<16xi32>
      %and3A_371 = arith.andi %gather3A_368, %and3A_370 : vector<16xi32>
      %shift_left3A_372 = arith.constant 16 : i32
      %shift_left3A_373 = vector.broadcast %shift_left3A_372 : i32 to vector<16xi32>
      %shift_left3A_374 = arith.shli %gather3A_368, %shift_left3A_373 : vector<16xi32>
      %select_n3A_375 = arith.select %ge3A_101, %and3A_371, %shift_left3A_374 : vector<16xi32>
      %bitcast3A_376 = vector.bitcast %select_n3A_375 : vector<16xi32> to vector<16xf32>
      %mul3A_377 = arith.constant 0.728547692 : f32
      %mul3A_378 = vector.broadcast %mul3A_377 : f32 to vector<16xf32>
      %mul3A_379 = arith.mulf %bitcast3A_376, %mul3A_378 : vector<16xf32>
      %broadcast_in_dim3A_380 = arith.constant 78 : i32
      %broadcast_in_dim3A_381 = vector.broadcast %broadcast_in_dim3A_380 : i32 to vector<16xi32>
      %gather3A_382 = tpu.vector_load_idx %arg6[%add3A_99, %broadcast_in_dim3A_381] : memref<32x128xi32, #tpu.memory_space<vmem>>[vector<16xi32>, vector<16xi32>], vector<16xi32>,
      %and3A_383 = arith.constant -65536 : i32
      %and3A_384 = vector.broadcast %and3A_383 : i32 to vector<16xi32>
      %and3A_385 = arith.andi %gather3A_382, %and3A_384 : vector<16xi32>
      %shift_left3A_386 = arith.constant 16 : i32
      %shift_left3A_387 = vector.broadcast %shift_left3A_386 : i32 to vector<16xi32>
      %shift_left3A_388 = arith.shli %gather3A_382, %shift_left3A_387 : vector<16xi32>
      %select_n3A_389 = arith.select %ge3A_101, %and3A_385, %shift_left3A_388 : vector<16xi32>
      %bitcast3A_390 = vector.bitcast %select_n3A_389 : vector<16xi32> to vector<16xf32>
      %mul3A_391 = arith.constant 0.372348458 : f32
      %mul3A_392 = vector.broadcast %mul3A_391 : f32 to vector<16xf32>
      %mul3A_393 = arith.mulf %bitcast3A_390, %mul3A_392 : vector<16xf32>
      %max3A_394 = arith.maximumf %gather3A, %bitcast3A_354 : vector<16xf32>
      %max3A_395 = arith.maximumf %gather3A_52, %bitcast3A_365 : vector<16xf32>
      %min3A_396 = arith.minimumf %gather3A_59, %mul3A_379 : vector<16xf32>
      %min3A_397 = arith.minimumf %gather3A_66, %mul3A_393 : vector<16xf32>
      %sub3A_398 = arith.subf %min3A_396, %max3A_394 : vector<16xf32>
      %add3A_399 = arith.constant 1.000000e+00 : f32
      %add3A_400 = vector.broadcast %add3A_399 : f32 to vector<16xf32>
      %add3A_401 = arith.addf %sub3A_398, %add3A_400 : vector<16xf32>
      %sub3A_402 = arith.subf %min3A_397, %max3A_395 : vector<16xf32>
      %add3A_403 = arith.constant 1.000000e+00 : f32
      %add3A_404 = vector.broadcast %add3A_403 : f32 to vector<16xf32>
      %add3A_405 = arith.addf %sub3A_402, %add3A_404 : vector<16xf32>
      %mul3A_406 = arith.mulf %add3A_401, %add3A_405 : vector<16xf32>
      %sub3A_407 = arith.subf %mul3A_379, %bitcast3A_354 : vector<16xf32>
      %add3A_408 = arith.constant 1.000000e+00 : f32
      %add3A_409 = vector.broadcast %add3A_408 : f32 to vector<16xf32>
      %add3A_410 = arith.addf %sub3A_407, %add3A_409 : vector<16xf32>
      %sub3A_411 = arith.subf %mul3A_393, %bitcast3A_365 : vector<16xf32>
      %add3A_412 = arith.constant 1.000000e+00 : f32
      %add3A_413 = vector.broadcast %add3A_412 : f32 to vector<16xf32>
      %add3A_414 = arith.addf %sub3A_411, %add3A_413 : vector<16xf32>
      %mul3A_415 = arith.mulf %add3A_410, %add3A_414 : vector<16xf32>
      %add3A_416 = arith.addf %mul3A_110, %mul3A_415 : vector<16xf32>
      %sub3A_417 = arith.subf %add3A_416, %mul3A_406 : vector<16xf32>
      %div3A_418 = arith.divf %mul3A_406, %sub3A_417 : vector<16xf32>
      %gt3A_419 = arith.cmpf ogt, %div3A_418, %select_n3A_343 : vector<16xf32>
      %jit3A_420 = arith.constant 3 : i32
      %broadcast_in_dim3A_421 = vector.broadcast %jit3A_420 : i32 to vector<16xi32>
      %select_n3A_422 = arith.select %gt3A_419, %broadcast_in_dim3A_421, %select_n3A_342 : vector<16xi1>, vector<16xi32>
      %select_n3A_423 = arith.select %gt3A_419, %div3A_418, %select_n3A_343 : vector<16xi1>, vector<16xf32>
      %broadcast_in_dim3A_424 = arith.constant 100 : i32
      %broadcast_in_dim3A_425 = vector.broadcast %broadcast_in_dim3A_424 : i32 to vector<16xi32>
      %gather3A_426 = tpu.vector_load_idx %arg6[%add3A_99, %broadcast_in_dim3A_425] : memref<32x128xi32, #tpu.memory_space<vmem>>[vector<16xi32>, vector<16xi32>], vector<16xi32>,
      %and3A_427 = arith.constant -65536 : i32
      %and3A_428 = vector.broadcast %and3A_427 : i32 to vector<16xi32>
      %and3A_429 = arith.andi %gather3A_426, %and3A_428 : vector<16xi32>
      %shift_left3A_430 = arith.constant 16 : i32
      %shift_left3A_431 = vector.broadcast %shift_left3A_430 : i32 to vector<16xi32>
      %shift_left3A_432 = arith.shli %gather3A_426, %shift_left3A_431 : vector<16xi32>
      %select_n3A_433 = arith.select %ge3A_101, %and3A_429, %shift_left3A_432 : vector<16xi32>
      %bitcast3A_434 = vector.bitcast %select_n3A_433 : vector<16xi32> to vector<16xf32>
      %broadcast_in_dim3A_435 = arith.constant 101 : i32
      %broadcast_in_dim3A_436 = vector.broadcast %broadcast_in_dim3A_435 : i32 to vector<16xi32>
      %gather3A_437 = tpu.vector_load_idx %arg6[%add3A_99, %broadcast_in_dim3A_436] : memref<32x128xi32, #tpu.memory_space<vmem>>[vector<16xi32>, vector<16xi32>], vector<16xi32>,
      %and3A_438 = arith.constant -65536 : i32
      %and3A_439 = vector.broadcast %and3A_438 : i32 to vector<16xi32>
      %and3A_440 = arith.andi %gather3A_437, %and3A_439 : vector<16xi32>
      %shift_left3A_441 = arith.constant 16 : i32
      %shift_left3A_442 = vector.broadcast %shift_left3A_441 : i32 to vector<16xi32>
      %shift_left3A_443 = arith.shli %gather3A_437, %shift_left3A_442 : vector<16xi32>
      %select_n3A_444 = arith.select %ge3A_101, %and3A_440, %shift_left3A_443 : vector<16xi32>
      %bitcast3A_445 = vector.bitcast %select_n3A_444 : vector<16xi32> to vector<16xf32>
      %broadcast_in_dim3A_446 = arith.constant 102 : i32
      %broadcast_in_dim3A_447 = vector.broadcast %broadcast_in_dim3A_446 : i32 to vector<16xi32>
      %gather3A_448 = tpu.vector_load_idx %arg6[%add3A_99, %broadcast_in_dim3A_447] : memref<32x128xi32, #tpu.memory_space<vmem>>[vector<16xi32>, vector<16xi32>], vector<16xi32>,
      %and3A_449 = arith.constant -65536 : i32
      %and3A_450 = vector.broadcast %and3A_449 : i32 to vector<16xi32>
      %and3A_451 = arith.andi %gather3A_448, %and3A_450 : vector<16xi32>
      %shift_left3A_452 = arith.constant 16 : i32
      %shift_left3A_453 = vector.broadcast %shift_left3A_452 : i32 to vector<16xi32>
      %shift_left3A_454 = arith.shli %gather3A_448, %shift_left3A_453 : vector<16xi32>
      %select_n3A_455 = arith.select %ge3A_101, %and3A_451, %shift_left3A_454 : vector<16xi32>
      %bitcast3A_456 = vector.bitcast %select_n3A_455 : vector<16xi32> to vector<16xf32>
      %mul3A_457 = arith.constant 0.864338457 : f32
      %mul3A_458 = vector.broadcast %mul3A_457 : f32 to vector<16xf32>
      %mul3A_459 = arith.mulf %bitcast3A_456, %mul3A_458 : vector<16xf32>
      %broadcast_in_dim3A_460 = arith.constant 103 : i32
      %broadcast_in_dim3A_461 = vector.broadcast %broadcast_in_dim3A_460 : i32 to vector<16xi32>
      %gather3A_462 = tpu.vector_load_idx %arg6[%add3A_99, %broadcast_in_dim3A_461] : memref<32x128xi32, #tpu.memory_space<vmem>>[vector<16xi32>, vector<16xi32>], vector<16xi32>,
      %and3A_463 = arith.constant -65536 : i32
      %and3A_464 = vector.broadcast %and3A_463 : i32 to vector<16xi32>
      %and3A_465 = arith.andi %gather3A_462, %and3A_464 : vector<16xi32>
      %shift_left3A_466 = arith.constant 16 : i32
      %shift_left3A_467 = vector.broadcast %shift_left3A_466 : i32 to vector<16xi32>
      %shift_left3A_468 = arith.shli %gather3A_462, %shift_left3A_467 : vector<16xi32>
      %select_n3A_469 = arith.select %ge3A_101, %and3A_465, %shift_left3A_468 : vector<16xi32>
      %bitcast3A_470 = vector.bitcast %select_n3A_469 : vector<16xi32> to vector<16xf32>
      %mul3A_471 = arith.constant 0.76977694 : f32
      %mul3A_472 = vector.broadcast %mul3A_471 : f32 to vector<16xf32>
      %mul3A_473 = arith.mulf %bitcast3A_470, %mul3A_472 : vector<16xf32>
      %max3A_474 = arith.maximumf %gather3A, %bitcast3A_434 : vector<16xf32>
      %max3A_475 = arith.maximumf %gather3A_52, %bitcast3A_445 : vector<16xf32>
      %min3A_476 = arith.minimumf %gather3A_59, %mul3A_459 : vector<16xf32>
      %min3A_477 = arith.minimumf %gather3A_66, %mul3A_473 : vector<16xf32>
      %sub3A_478 = arith.subf %min3A_476, %max3A_474 : vector<16xf32>
      %add3A_479 = arith.constant 1.000000e+00 : f32
      %add3A_480 = vector.broadcast %add3A_479 : f32 to vector<16xf32>
      %add3A_481 = arith.addf %sub3A_478, %add3A_480 : vector<16xf32>
      %sub3A_482 = arith.subf %min3A_477, %max3A_475 : vector<16xf32>
      %add3A_483 = arith.constant 1.000000e+00 : f32
      %add3A_484 = vector.broadcast %add3A_483 : f32 to vector<16xf32>
      %add3A_485 = arith.addf %sub3A_482, %add3A_484 : vector<16xf32>
      %mul3A_486 = arith.mulf %add3A_481, %add3A_485 : vector<16xf32>
      %sub3A_487 = arith.subf %mul3A_459, %bitcast3A_434 : vector<16xf32>
      %add3A_488 = arith.constant 1.000000e+00 : f32
      %add3A_489 = vector.broadcast %add3A_488 : f32 to vector<16xf32>
      %add3A_490 = arith.addf %sub3A_487, %add3A_489 : vector<16xf32>
      %sub3A_491 = arith.subf %mul3A_473, %bitcast3A_445 : vector<16xf32>
      %add3A_492 = arith.constant 1.000000e+00 : f32
      %add3A_493 = vector.broadcast %add3A_492 : f32 to vector<16xf32>
      %add3A_494 = arith.addf %sub3A_491, %add3A_493 : vector<16xf32>
      %mul3A_495 = arith.mulf %add3A_490, %add3A_494 : vector<16xf32>
      %add3A_496 = arith.addf %mul3A_110, %mul3A_495 : vector<16xf32>
      %sub3A_497 = arith.subf %add3A_496, %mul3A_486 : vector<16xf32>
      %div3A_498 = arith.divf %mul3A_486, %sub3A_497 : vector<16xf32>
      %gt3A_499 = arith.cmpf ogt, %div3A_498, %select_n3A_423 : vector<16xf32>
      %jit3A_500 = arith.constant 4 : i32
      %broadcast_in_dim3A_501 = vector.broadcast %jit3A_500 : i32 to vector<16xi32>
      %select_n3A_502 = arith.select %gt3A_499, %broadcast_in_dim3A_501, %select_n3A_422 : vector<16xi1>, vector<16xi32>
      %select_n3A_503 = arith.select %gt3A_499, %div3A_498, %select_n3A_423 : vector<16xi1>, vector<16xf32>
      %mul3A_504 = arith.constant 25 : i32
      %mul3A_505 = vector.broadcast %mul3A_504 : i32 to vector<16xi32>
      %mul3A_506 = arith.muli %select_n3A_502, %mul3A_505 : vector<16xi32>
      %gather3A_507 = tpu.vector_load_idx %arg6[%add3A_99, %mul3A_506] : memref<32x128xi32, #tpu.memory_space<vmem>>[vector<16xi32>, vector<16xi32>], vector<16xi32>,
      %and3A_508 = arith.constant -65536 : i32
      %and3A_509 = vector.broadcast %and3A_508 : i32 to vector<16xi32>
      %and3A_510 = arith.andi %gather3A_507, %and3A_509 : vector<16xi32>
      %shift_left3A_511 = arith.constant 16 : i32
      %shift_left3A_512 = vector.broadcast %shift_left3A_511 : i32 to vector<16xi32>
      %shift_left3A_513 = arith.shli %gather3A_507, %shift_left3A_512 : vector<16xi32>
      %select_n3A_514 = arith.select %ge3A_101, %and3A_510, %shift_left3A_513 : vector<16xi32>
      %bitcast3A_515 = vector.bitcast %select_n3A_514 : vector<16xi32> to vector<16xf32>
      %add3A_516 = arith.constant 1 : i32
      %add3A_517 = vector.broadcast %add3A_516 : i32 to vector<16xi32>
      %add3A_518 = arith.addi %mul3A_506, %add3A_517 : vector<16xi32>
      %gather3A_519 = tpu.vector_load_idx %arg6[%add3A_99, %add3A_518] : memref<32x128xi32, #tpu.memory_space<vmem>>[vector<16xi32>, vector<16xi32>], vector<16xi32>,
      %and3A_520 = arith.constant -65536 : i32
      %and3A_521 = vector.broadcast %and3A_520 : i32 to vector<16xi32>
      %and3A_522 = arith.andi %gather3A_519, %and3A_521 : vector<16xi32>
      %shift_left3A_523 = arith.constant 16 : i32
      %shift_left3A_524 = vector.broadcast %shift_left3A_523 : i32 to vector<16xi32>
      %shift_left3A_525 = arith.shli %gather3A_519, %shift_left3A_524 : vector<16xi32>
      %select_n3A_526 = arith.select %ge3A_101, %and3A_522, %shift_left3A_525 : vector<16xi32>
      %bitcast3A_527 = vector.bitcast %select_n3A_526 : vector<16xi32> to vector<16xf32>
      %add3A_528 = arith.constant 2 : i32
      %add3A_529 = vector.broadcast %add3A_528 : i32 to vector<16xi32>
      %add3A_530 = arith.addi %mul3A_506, %add3A_529 : vector<16xi32>
      %gather3A_531 = tpu.vector_load_idx %arg6[%add3A_99, %add3A_530] : memref<32x128xi32, #tpu.memory_space<vmem>>[vector<16xi32>, vector<16xi32>], vector<16xi32>,
      %and3A_532 = arith.constant -65536 : i32
      %and3A_533 = vector.broadcast %and3A_532 : i32 to vector<16xi32>
      %and3A_534 = arith.andi %gather3A_531, %and3A_533 : vector<16xi32>
      %shift_left3A_535 = arith.constant 16 : i32
      %shift_left3A_536 = vector.broadcast %shift_left3A_535 : i32 to vector<16xi32>
      %shift_left3A_537 = arith.shli %gather3A_531, %shift_left3A_536 : vector<16xi32>
      %select_n3A_538 = arith.select %ge3A_101, %and3A_534, %shift_left3A_537 : vector<16xi32>
      %bitcast3A_539 = vector.bitcast %select_n3A_538 : vector<16xi32> to vector<16xf32>
      %add3A_540 = arith.constant 3 : i32
      %add3A_541 = vector.broadcast %add3A_540 : i32 to vector<16xi32>
      %add3A_542 = arith.addi %mul3A_506, %add3A_541 : vector<16xi32>
      %gather3A_543 = tpu.vector_load_idx %arg6[%add3A_99, %add3A_542] : memref<32x128xi32, #tpu.memory_space<vmem>>[vector<16xi32>, vector<16xi32>], vector<16xi32>,
      %and3A_544 = arith.constant -65536 : i32
      %and3A_545 = vector.broadcast %and3A_544 : i32 to vector<16xi32>
      %and3A_546 = arith.andi %gather3A_543, %and3A_545 : vector<16xi32>
      %shift_left3A_547 = arith.constant 16 : i32
      %shift_left3A_548 = vector.broadcast %shift_left3A_547 : i32 to vector<16xi32>
      %shift_left3A_549 = arith.shli %gather3A_543, %shift_left3A_548 : vector<16xi32>
      %select_n3A_550 = arith.select %ge3A_101, %and3A_546, %shift_left3A_549 : vector<16xi32>
      %bitcast3A_551 = vector.bitcast %select_n3A_550 : vector<16xi32> to vector<16xf32>
      %add3A_552 = arith.constant 4 : i32
      %add3A_553 = vector.broadcast %add3A_552 : i32 to vector<16xi32>
      %add3A_554 = arith.addi %mul3A_506, %add3A_553 : vector<16xi32>
      %gather3A_555 = tpu.vector_load_idx %arg6[%add3A_99, %add3A_554] : memref<32x128xi32, #tpu.memory_space<vmem>>[vector<16xi32>, vector<16xi32>], vector<16xi32>,
      %and3A_556 = arith.constant -65536 : i32
      %and3A_557 = vector.broadcast %and3A_556 : i32 to vector<16xi32>
      %and3A_558 = arith.andi %gather3A_555, %and3A_557 : vector<16xi32>
      %shift_left3A_559 = arith.constant 16 : i32
      %shift_left3A_560 = vector.broadcast %shift_left3A_559 : i32 to vector<16xi32>
      %shift_left3A_561 = arith.shli %gather3A_555, %shift_left3A_560 : vector<16xi32>
      %select_n3A_562 = arith.select %ge3A_101, %and3A_558, %shift_left3A_561 : vector<16xi32>
      %bitcast3A_563 = vector.bitcast %select_n3A_562 : vector<16xi32> to vector<16xf32>
      %add3A_564 = arith.constant 5 : i32
      %add3A_565 = vector.broadcast %add3A_564 : i32 to vector<16xi32>
      %add3A_566 = arith.addi %mul3A_506, %add3A_565 : vector<16xi32>
      %add3A_567 = arith.addi %add3A_566, %gather3A_95 : vector<16xi32>
      %gather3A_568 = tpu.vector_load_idx %arg6[%add3A_99, %add3A_567] : memref<32x128xi32, #tpu.memory_space<vmem>>[vector<16xi32>, vector<16xi32>], vector<16xi32>,
      %and3A_569 = arith.constant -65536 : i32
      %and3A_570 = vector.broadcast %and3A_569 : i32 to vector<16xi32>
      %and3A_571 = arith.andi %gather3A_568, %and3A_570 : vector<16xi32>
      %shift_left3A_572 = arith.constant 16 : i32
      %shift_left3A_573 = vector.broadcast %shift_left3A_572 : i32 to vector<16xi32>
      %shift_left3A_574 = arith.shli %gather3A_568, %shift_left3A_573 : vector<16xi32>
      %select_n3A_575 = arith.select %ge3A_101, %and3A_571, %shift_left3A_574 : vector<16xi32>
      %bitcast3A_576 = vector.bitcast %select_n3A_575 : vector<16xi32> to vector<16xf32>
      %broadcast_in_dim3A_577 = arith.constant 1.017000e-01 : f32
      %broadcast_in_dim3A_578 = vector.broadcast %broadcast_in_dim3A_577 : f32 to vector<16xf32>
      %broadcast_in_dim3A_579 = arith.constant 0.133188456 : f32
      %broadcast_in_dim3A_580 = vector.broadcast %broadcast_in_dim3A_579 : f32 to vector<16xf32>
      %eq3A = arith.constant 1 : i32
      %eq3A_581 = vector.broadcast %eq3A : i32 to vector<16xi32>
      %eq3A_582 = arith.cmpi eq, %select_n3A_502, %eq3A_581 : vector<16xi32>
      %jit3A_583 = arith.constant 0.245596156 : f32
      %broadcast_in_dim3A_584 = vector.broadcast %jit3A_583 : f32 to vector<16xf32>
      %select_n3A_585 = arith.select %eq3A_582, %broadcast_in_dim3A_584, %broadcast_in_dim3A_578 : vector<16xi1>, vector<16xf32>
      %eq3A_586 = arith.constant 1 : i32
      %eq3A_587 = vector.broadcast %eq3A_586 : i32 to vector<16xi32>
      %eq3A_588 = arith.cmpi eq, %select_n3A_502, %eq3A_587 : vector<16xi32>
      %jit3A_589 = arith.constant 0.308418453 : f32
      %broadcast_in_dim3A_590 = vector.broadcast %jit3A_589 : f32 to vector<16xf32>
      %select_n3A_591 = arith.select %eq3A_588, %broadcast_in_dim3A_590, %broadcast_in_dim3A_580 : vector<16xi1>, vector<16xf32>
      %eq3A_592 = arith.constant 2 : i32
      %eq3A_593 = vector.broadcast %eq3A_592 : i32 to vector<16xi32>
      %eq3A_594 = arith.cmpi eq, %select_n3A_502, %eq3A_593 : vector<16xi32>
      %jit3A_595 = arith.constant 0.388913095 : f32
      %broadcast_in_dim3A_596 = vector.broadcast %jit3A_595 : f32 to vector<16xf32>
      %select_n3A_597 = arith.select %eq3A_594, %broadcast_in_dim3A_596, %select_n3A_585 : vector<16xi1>, vector<16xf32>
      %eq3A_598 = arith.constant 2 : i32
      %eq3A_599 = vector.broadcast %eq3A_598 : i32 to vector<16xi32>
      %eq3A_600 = arith.cmpi eq, %select_n3A_502, %eq3A_599 : vector<16xi32>
      %jit3A_601 = arith.constant 0.622993827 : f32
      %broadcast_in_dim3A_602 = vector.broadcast %jit3A_601 : f32 to vector<16xf32>
      %select_n3A_603 = arith.select %eq3A_600, %broadcast_in_dim3A_602, %select_n3A_591 : vector<16xi1>, vector<16xf32>
      %eq3A_604 = arith.constant 3 : i32
      %eq3A_605 = vector.broadcast %eq3A_604 : i32 to vector<16xi32>
      %eq3A_606 = arith.cmpi eq, %select_n3A_502, %eq3A_605 : vector<16xi32>
      %jit3A_607 = arith.constant 0.728547692 : f32
      %broadcast_in_dim3A_608 = vector.broadcast %jit3A_607 : f32 to vector<16xf32>
      %select_n3A_609 = arith.select %eq3A_606, %broadcast_in_dim3A_608, %select_n3A_597 : vector<16xi1>, vector<16xf32>
      %eq3A_610 = arith.constant 3 : i32
      %eq3A_611 = vector.broadcast %eq3A_610 : i32 to vector<16xi32>
      %eq3A_612 = arith.cmpi eq, %select_n3A_502, %eq3A_611 : vector<16xi32>
      %jit3A_613 = arith.constant 0.372348458 : f32
      %broadcast_in_dim3A_614 = vector.broadcast %jit3A_613 : f32 to vector<16xf32>
      %select_n3A_615 = arith.select %eq3A_612, %broadcast_in_dim3A_614, %select_n3A_603 : vector<16xi1>, vector<16xf32>
      %eq3A_616 = arith.constant 4 : i32
      %eq3A_617 = vector.broadcast %eq3A_616 : i32 to vector<16xi32>
      %eq3A_618 = arith.cmpi eq, %select_n3A_502, %eq3A_617 : vector<16xi32>
      %jit3A_619 = arith.constant 0.864338457 : f32
      %broadcast_in_dim3A_620 = vector.broadcast %jit3A_619 : f32 to vector<16xf32>
      %select_n3A_621 = arith.select %eq3A_618, %broadcast_in_dim3A_620, %select_n3A_609 : vector<16xi1>, vector<16xf32>
      %eq3A_622 = arith.constant 4 : i32
      %eq3A_623 = vector.broadcast %eq3A_622 : i32 to vector<16xi32>
      %eq3A_624 = arith.cmpi eq, %select_n3A_502, %eq3A_623 : vector<16xi32>
      %jit3A_625 = arith.constant 0.76977694 : f32
      %broadcast_in_dim3A_626 = vector.broadcast %jit3A_625 : f32 to vector<16xf32>
      %select_n3A_627 = arith.select %eq3A_624, %broadcast_in_dim3A_626, %select_n3A_615 : vector<16xi1>, vector<16xf32>
      %mul3A_628 = arith.mulf %bitcast3A_539, %select_n3A_621 : vector<16xf32>
      %mul3A_629 = arith.mulf %bitcast3A_551, %select_n3A_627 : vector<16xf32>
      %mul3A_630 = arith.mulf %gather3A, %bitcast3A_515 : vector<16xf32>
      %mul3A_631 = arith.mulf %gather3A_52, %bitcast3A_527 : vector<16xf32>
      %add3A_632 = arith.addf %mul3A_630, %mul3A_631 : vector<16xf32>
      %mul3A_633 = arith.mulf %gather3A_59, %mul3A_628 : vector<16xf32>
      %add3A_634 = arith.addf %add3A_632, %mul3A_633 : vector<16xf32>
      %mul3A_635 = arith.mulf %gather3A_66, %mul3A_629 : vector<16xf32>
      %add3A_636 = arith.addf %add3A_634, %mul3A_635 : vector<16xf32>
      %mul3A_637 = arith.constant 5.000000e+00 : f32
      %mul3A_638 = vector.broadcast %mul3A_637 : f32 to vector<16xf32>
      %mul3A_639 = arith.mulf %mul3A_638, %add3A_636 : vector<16xf32>
      %add3A_640 = arith.addf %mul3A_639, %bitcast3A_563 : vector<16xf32>
      %add3A_641 = arith.addf %add3A_640, %bitcast3A_576 : vector<16xf32>
      %mul3A_642 = arith.mulf %gather3A, %gather3A : vector<16xf32>
      %mul3A_643 = arith.mulf %gather3A_52, %gather3A_52 : vector<16xf32>
      %add3A_644 = arith.addf %mul3A_642, %mul3A_643 : vector<16xf32>
      %mul3A_645 = arith.mulf %gather3A_59, %gather3A_59 : vector<16xf32>
      %add3A_646 = arith.addf %add3A_644, %mul3A_645 : vector<16xf32>
      %mul3A_647 = arith.mulf %gather3A_66, %gather3A_66 : vector<16xf32>
      %add3A_648 = arith.addf %add3A_646, %mul3A_647 : vector<16xf32>
      %mul3A_649 = arith.constant 2.500000e+01 : f32
      %mul3A_650 = vector.broadcast %mul3A_649 : f32 to vector<16xf32>
      %mul3A_651 = arith.mulf %mul3A_650, %add3A_648 : vector<16xf32>
      %add3A_652 = arith.constant 2.000000e+00 : f32
      %add3A_653 = vector.broadcast %add3A_652 : f32 to vector<16xf32>
      %add3A_654 = arith.addf %mul3A_651, %add3A_653 : vector<16xf32>
      %mul3A_655 = arith.constant 5 : i32
      %mul3A_656 = vector.broadcast %mul3A_655 : i32 to vector<16xi32>
      %mul3A_657 = arith.muli %select_n3A, %mul3A_656 : vector<16xi32>
      %add3A_658 = arith.addi %mul3A_657, %select_n3A_502 : vector<16xi32>
      %swap3A_659 = arith.constant 0 : index
      %swap3A_660 = tpu.vector_load %arg10[%swap3A_659] {strides = array<i32>} : memref<16xi32, #tpu.memory_space<vmem>>, vector<16xi32>,
      tpu.vector_store %arg10[%swap3A_659], %add3A_658 {strides = array<i32>} : memref<16xi32, #tpu.memory_space<vmem>>, vector<16xi32>,
      %ge3A_661 = arith.constant 8 : i32
      %ge3A_662 = vector.broadcast %ge3A_661 : i32 to vector<16xi32>
      %ge3A_663 = arith.cmpi sge, %iota3A, %ge3A_662 : vector<16xi32>
      %add3A_664 = arith.constant 1 : i32
      %add3A_665 = vector.broadcast %add3A_664 : i32 to vector<16xi32>
      %add3A_666 = arith.addi %iota3A, %add3A_665 : vector<16xi32>
      %min3A_667 = arith.constant 15 : i32
      %min3A_668 = vector.broadcast %min3A_667 : i32 to vector<16xi32>
      %min3A_669 = arith.minsi %add3A_666, %min3A_668 : vector<16xi32>
      %gather3A_670 = tpu.vector_load_idx %arg10[%min3A_669] : memref<16xi32, #tpu.memory_space<vmem>>[vector<16xi32>], vector<16xi32>,
      %eq3A_671 = arith.cmpi eq, %gather3A_670, %add3A_658 : vector<16xi32>
      %add3A_672 = arith.constant 1 : i32
      %add3A_673 = vector.broadcast %add3A_672 : i32 to vector<16xi32>
      %add3A_674 = arith.addi %iota3A, %add3A_673 : vector<16xi32>
      %lt3A_675 = arith.constant 8 : i32
      %lt3A_676 = vector.broadcast %lt3A_675 : i32 to vector<16xi32>
      %lt3A_677 = arith.cmpi slt, %add3A_674, %lt3A_676 : vector<16xi32>
      %and3A_678 = arith.andi %eq3A_671, %lt3A_677 : vector<16xi1>
      %or3A = arith.ori %ge3A_663, %and3A_678 : vector<16xi1>
      %add3A_679 = arith.constant 2 : i32
      %add3A_680 = vector.broadcast %add3A_679 : i32 to vector<16xi32>
      %add3A_681 = arith.addi %iota3A, %add3A_680 : vector<16xi32>
      %min3A_682 = arith.constant 15 : i32
      %min3A_683 = vector.broadcast %min3A_682 : i32 to vector<16xi32>
      %min3A_684 = arith.minsi %add3A_681, %min3A_683 : vector<16xi32>
      %gather3A_685 = tpu.vector_load_idx %arg10[%min3A_684] : memref<16xi32, #tpu.memory_space<vmem>>[vector<16xi32>], vector<16xi32>,
      %eq3A_686 = arith.cmpi eq, %gather3A_685, %add3A_658 : vector<16xi32>
      %add3A_687 = arith.constant 2 : i32
      %add3A_688 = vector.broadcast %add3A_687 : i32 to vector<16xi32>
      %add3A_689 = arith.addi %iota3A, %add3A_688 : vector<16xi32>
      %lt3A_690 = arith.constant 8 : i32
      %lt3A_691 = vector.broadcast %lt3A_690 : i32 to vector<16xi32>
      %lt3A_692 = arith.cmpi slt, %add3A_689, %lt3A_691 : vector<16xi32>
      %and3A_693 = arith.andi %eq3A_686, %lt3A_692 : vector<16xi1>
      %or3A_694 = arith.ori %or3A, %and3A_693 : vector<16xi1>
      %add3A_695 = arith.constant 3 : i32
      %add3A_696 = vector.broadcast %add3A_695 : i32 to vector<16xi32>
      %add3A_697 = arith.addi %iota3A, %add3A_696 : vector<16xi32>
      %min3A_698 = arith.constant 15 : i32
      %min3A_699 = vector.broadcast %min3A_698 : i32 to vector<16xi32>
      %min3A_700 = arith.minsi %add3A_697, %min3A_699 : vector<16xi32>
      %gather3A_701 = tpu.vector_load_idx %arg10[%min3A_700] : memref<16xi32, #tpu.memory_space<vmem>>[vector<16xi32>], vector<16xi32>,
      %eq3A_702 = arith.cmpi eq, %gather3A_701, %add3A_658 : vector<16xi32>
      %add3A_703 = arith.constant 3 : i32
      %add3A_704 = vector.broadcast %add3A_703 : i32 to vector<16xi32>
      %add3A_705 = arith.addi %iota3A, %add3A_704 : vector<16xi32>
      %lt3A_706 = arith.constant 8 : i32
      %lt3A_707 = vector.broadcast %lt3A_706 : i32 to vector<16xi32>
      %lt3A_708 = arith.cmpi slt, %add3A_705, %lt3A_707 : vector<16xi32>
      %and3A_709 = arith.andi %eq3A_702, %lt3A_708 : vector<16xi1>
      %or3A_710 = arith.ori %or3A_694, %and3A_709 : vector<16xi1>
      %add3A_711 = arith.constant 4 : i32
      %add3A_712 = vector.broadcast %add3A_711 : i32 to vector<16xi32>
      %add3A_713 = arith.addi %iota3A, %add3A_712 : vector<16xi32>
      %min3A_714 = arith.constant 15 : i32
      %min3A_715 = vector.broadcast %min3A_714 : i32 to vector<16xi32>
      %min3A_716 = arith.minsi %add3A_713, %min3A_715 : vector<16xi32>
      %gather3A_717 = tpu.vector_load_idx %arg10[%min3A_716] : memref<16xi32, #tpu.memory_space<vmem>>[vector<16xi32>], vector<16xi32>,
      %eq3A_718 = arith.cmpi eq, %gather3A_717, %add3A_658 : vector<16xi32>
      %add3A_719 = arith.constant 4 : i32
      %add3A_720 = vector.broadcast %add3A_719 : i32 to vector<16xi32>
      %add3A_721 = arith.addi %iota3A, %add3A_720 : vector<16xi32>
      %lt3A_722 = arith.constant 8 : i32
      %lt3A_723 = vector.broadcast %lt3A_722 : i32 to vector<16xi32>
      %lt3A_724 = arith.cmpi slt, %add3A_721, %lt3A_723 : vector<16xi32>
      %and3A_725 = arith.andi %eq3A_718, %lt3A_724 : vector<16xi1>
      %or3A_726 = arith.ori %or3A_710, %and3A_725 : vector<16xi1>
      %add3A_727 = arith.constant 5 : i32
      %add3A_728 = vector.broadcast %add3A_727 : i32 to vector<16xi32>
      %add3A_729 = arith.addi %iota3A, %add3A_728 : vector<16xi32>
      %min3A_730 = arith.constant 15 : i32
      %min3A_731 = vector.broadcast %min3A_730 : i32 to vector<16xi32>
      %min3A_732 = arith.minsi %add3A_729, %min3A_731 : vector<16xi32>
      %gather3A_733 = tpu.vector_load_idx %arg10[%min3A_732] : memref<16xi32, #tpu.memory_space<vmem>>[vector<16xi32>], vector<16xi32>,
      %eq3A_734 = arith.cmpi eq, %gather3A_733, %add3A_658 : vector<16xi32>
      %add3A_735 = arith.constant 5 : i32
      %add3A_736 = vector.broadcast %add3A_735 : i32 to vector<16xi32>
      %add3A_737 = arith.addi %iota3A, %add3A_736 : vector<16xi32>
      %lt3A_738 = arith.constant 8 : i32
      %lt3A_739 = vector.broadcast %lt3A_738 : i32 to vector<16xi32>
      %lt3A_740 = arith.cmpi slt, %add3A_737, %lt3A_739 : vector<16xi32>
      %and3A_741 = arith.andi %eq3A_734, %lt3A_740 : vector<16xi1>
      %or3A_742 = arith.ori %or3A_726, %and3A_741 : vector<16xi1>
      %add3A_743 = arith.constant 6 : i32
      %add3A_744 = vector.broadcast %add3A_743 : i32 to vector<16xi32>
      %add3A_745 = arith.addi %iota3A, %add3A_744 : vector<16xi32>
      %min3A_746 = arith.constant 15 : i32
      %min3A_747 = vector.broadcast %min3A_746 : i32 to vector<16xi32>
      %min3A_748 = arith.minsi %add3A_745, %min3A_747 : vector<16xi32>
      %gather3A_749 = tpu.vector_load_idx %arg10[%min3A_748] : memref<16xi32, #tpu.memory_space<vmem>>[vector<16xi32>], vector<16xi32>,
      %eq3A_750 = arith.cmpi eq, %gather3A_749, %add3A_658 : vector<16xi32>
      %add3A_751 = arith.constant 6 : i32
      %add3A_752 = vector.broadcast %add3A_751 : i32 to vector<16xi32>
      %add3A_753 = arith.addi %iota3A, %add3A_752 : vector<16xi32>
      %lt3A_754 = arith.constant 8 : i32
      %lt3A_755 = vector.broadcast %lt3A_754 : i32 to vector<16xi32>
      %lt3A_756 = arith.cmpi slt, %add3A_753, %lt3A_755 : vector<16xi32>
      %and3A_757 = arith.andi %eq3A_750, %lt3A_756 : vector<16xi1>
      %or3A_758 = arith.ori %or3A_742, %and3A_757 : vector<16xi1>
      %add3A_759 = arith.constant 7 : i32
      %add3A_760 = vector.broadcast %add3A_759 : i32 to vector<16xi32>
      %add3A_761 = arith.addi %iota3A, %add3A_760 : vector<16xi32>
      %min3A_762 = arith.constant 15 : i32
      %min3A_763 = vector.broadcast %min3A_762 : i32 to vector<16xi32>
      %min3A_764 = arith.minsi %add3A_761, %min3A_763 : vector<16xi32>
      %gather3A_765 = tpu.vector_load_idx %arg10[%min3A_764] : memref<16xi32, #tpu.memory_space<vmem>>[vector<16xi32>], vector<16xi32>,
      %eq3A_766 = arith.cmpi eq, %gather3A_765, %add3A_658 : vector<16xi32>
      %add3A_767 = arith.constant 7 : i32
      %add3A_768 = vector.broadcast %add3A_767 : i32 to vector<16xi32>
      %add3A_769 = arith.addi %iota3A, %add3A_768 : vector<16xi32>
      %lt3A_770 = arith.constant 8 : i32
      %lt3A_771 = vector.broadcast %lt3A_770 : i32 to vector<16xi32>
      %lt3A_772 = arith.cmpi slt, %add3A_769, %lt3A_771 : vector<16xi32>
      %and3A_773 = arith.andi %eq3A_766, %lt3A_772 : vector<16xi1>
      %or3A_774 = arith.ori %or3A_758, %and3A_773 : vector<16xi1>
      %mul3A_775 = arith.constant 2.000000e+00 : f32
      %mul3A_776 = vector.broadcast %mul3A_775 : f32 to vector<16xf32>
      %mul3A_777 = arith.mulf %mul3A_776, %add3A_641 : vector<16xf32>
      %sub3A_778 = arith.subf %add3A_654, %mul3A_777 : vector<16xf32>
      %jit3A_779 = arith.constant 0.000000e+00 : f32
      %broadcast_in_dim3A_780 = vector.broadcast %jit3A_779 : f32 to vector<16xf32>
      %select_n3A_781 = arith.select %or3A_774, %broadcast_in_dim3A_780, %sub3A_778 : vector<16xi1>, vector<16xf32>
      %add3A_782 = arith.addf %scan3A_41, %select_n3A_781 : vector<16xf32>
      scf.yield %add3A_782 : vector<16xf32>
    }
    %scan3A_38 = arith.constant 4 : i32
    %swap3A = arith.constant 0 : index
    %swap3A_39 = tpu.vector_load %arg11[%swap3A] {strides = array<i32>} : memref<16xf32, #tpu.memory_space<vmem>>, vector<16xf32>,
    tpu.vector_store %arg11[%swap3A], %scan3A_37 {strides = array<i32>} : memref<16xf32, #tpu.memory_space<vmem>>, vector<16xf32>,
    "tpu.region"() ({
      %run_scoped3A = tpu.sem_alloc : memref<!tpu.dma_semaphore, #tpu.memory_space<semaphore_mem>>
      %dma_start3A_40 = arith.constant 0 : i32
      %dma_start3A_41 = tpu.memref_slice %arg5[%add3A, %dma_start3A_40] : memref<32x16xf32, #tpu.memory_space<hbm>> -> memref<1x16xf32, #tpu.memory_space<hbm>>
      %dma_start3A_42 = tpu.memref_squeeze %dma_start3A_41 : memref<1x16xf32, #tpu.memory_space<hbm>> -> memref<16xf32, #tpu.memory_space<hbm>>
      %dma_start3A_43 = arith.constant 0 : i32
      %dma_start3A_44 = tpu.memref_slice %arg5[%add3A, %dma_start3A_43] : memref<32x16xf32, #tpu.memory_space<hbm>> -> memref<1x16xf32, #tpu.memory_space<hbm>>
      %dma_start3A_45 = tpu.memref_squeeze %dma_start3A_44 : memref<1x16xf32, #tpu.memory_space<hbm>> -> memref<16xf32, #tpu.memory_space<hbm>>
      tpu.enqueue_dma source(%arg11 : memref<16xf32, #tpu.memory_space<vmem>>) target(%dma_start3A_45 : memref<16xf32, #tpu.memory_space<hbm>>) target_semaphore(%run_scoped3A : memref<!tpu.dma_semaphore, #tpu.memory_space<semaphore_mem>>)
      %dma_wait3A_46 = arith.constant 0 : i32
      %dma_wait3A_47 = tpu.memref_slice %arg5[%add3A, %dma_wait3A_46] : memref<32x16xf32, #tpu.memory_space<hbm>> -> memref<1x16xf32, #tpu.memory_space<hbm>>
      %dma_wait3A_48 = tpu.memref_squeeze %dma_wait3A_47 : memref<1x16xf32, #tpu.memory_space<hbm>> -> memref<16xf32, #tpu.memory_space<hbm>>
      %dma_wait3A_49 = arith.constant 0 : i32
      %dma_wait3A_50 = tpu.memref_slice %arg5[%add3A, %dma_wait3A_49] : memref<32x16xf32, #tpu.memory_space<hbm>> -> memref<1x16xf32, #tpu.memory_space<hbm>>
      %dma_wait3A_51 = tpu.memref_squeeze %dma_wait3A_50 : memref<1x16xf32, #tpu.memory_space<hbm>> -> memref<16xf32, #tpu.memory_space<hbm>>
      tpu.wait_dma2 semaphore(%run_scoped3A : memref<!tpu.dma_semaphore, #tpu.memory_space<semaphore_mem>>) src(%arg11 : memref<16xf32, #tpu.memory_space<vmem>>) dst(%dma_wait3A_51 : memref<16xf32, #tpu.memory_space<hbm>>)
      tpu.yield
    }) : () -> ()
    return
  }
}

module attributes {stable_mosaic.version = 14 : i64} {
  func.func @_tc_body(%arg0: i32, %arg1: memref<1x13x128x125xf32, #tpu.memory_space<vmem>>, %arg2: memref<1x125xf32, #tpu.memory_space<vmem>>, %arg3: memref<1x1xf32, #tpu.memory_space<vmem>>, %arg4: memref<1x13x64x128xi32, #tpu.memory_space<vmem>>) attributes {dimension_semantics = [#tpu.dimension_semantics<arbitrary>], iteration_bounds = array<i64: 13>, scalar_prefetch = 0 : i64, scratch_operands = 0 : i64, tpu.core_type = #tpu.core_type<tc>, window_params = [{transform_indices = @transform_0, window_bounds = array<i64: 1, 13, 128, 125>}, {pipeline_mode = #tpu.pipeline_mode<synchronous>, transform_indices = @transform_1, window_bounds = array<i64: 1, 125>}, {pipeline_mode = #tpu.pipeline_mode<synchronous>, transform_indices = @transform_2, window_bounds = array<i64: 1, 1>}, {transform_indices = @transform_3, window_bounds = array<i64: 1, 13, 64, 128>}]} {
    %get3A = arith.constant 0 : index
    %get3A_0 = arith.constant 0 : index
    %get3A_1 = arith.constant 0 : index
    %get3A_2 = arith.constant 0 : index
    %get3A_3 = vector.load %arg1[%get3A, %get3A_0, %get3A_1, %get3A_2] : memref<1x13x128x125xf32, #tpu.memory_space<vmem>>, vector<1x13x128x125xf32>
    %mul3A = arith.mulf %get3A_3, %get3A_3 : vector<1x13x128x125xf32>
    %get3A_4 = arith.constant 0 : index
    %get3A_5 = arith.constant 0 : index
    %get3A_6 = vector.load %arg2[%get3A_4, %get3A_5] : memref<1x125xf32, #tpu.memory_space<vmem>>, vector<1x125xf32>
    %squeeze3A = vector.shape_cast %get3A_6 : vector<1x125xf32> to vector<125xf32>
    %broadcast_in_dim3A = vector.shape_cast %squeeze3A : vector<125xf32> to vector<1x1x1x125xf32>
    %mul3A_7 = vector.broadcast %broadcast_in_dim3A : vector<1x1x1x125xf32> to vector<1x13x128x125xf32>
    %mul3A_8 = arith.mulf %mul3A, %mul3A_7 : vector<1x13x128x125xf32>
    %reduce_sum3A = vector.shape_cast %mul3A_8 : vector<1x13x128x125xf32> to vector<1x1x13x128x125xf32>
    %reduce_sum3A_9 = arith.constant dense<0.000000e+00> : vector<1xf32>
    %reduce_sum3A_10 = vector.multi_reduction <add>, %reduce_sum3A, %reduce_sum3A_9 [1, 2, 3, 4] : vector<1x1x13x128x125xf32> to vector<1xf32>
    %reduce_sum3A_11 = vector.shape_cast %reduce_sum3A_10 : vector<1xf32> to vector<1x1x1x1x1xf32>
    %reduce_sum3A_12 = vector.extract %reduce_sum3A_11[0, 0, 0, 0, 0] : f32 from vector<1x1x1x1x1xf32>
    %eq3A = arith.constant 0 : i32
    %eq3A_13 = arith.cmpi eq, %arg0, %eq3A : i32
    %convert_element_type3A = arith.extui %eq3A_13 : i1 to i32
    %cond3A = arith.constant 0 : i32
    %cond3A_14 = arith.cmpi ne, %convert_element_type3A, %cond3A : i32
    scf.if %cond3A_14 {
      %broadcast_in_dim3A_33 = arith.constant 0.000000e+00 : f32
      %broadcast_in_dim3A_34 = vector.broadcast %broadcast_in_dim3A_33 : f32 to vector<1x1xf32>
      %swap3A_35 = arith.constant 0 : index
      %swap3A_36 = arith.constant 0 : index
      %swap3A_37 = vector.load %arg3[%swap3A_35, %swap3A_36] : memref<1x1xf32, #tpu.memory_space<vmem>>, vector<1x1xf32>
      tpu.vector_store %arg3[%swap3A_35, %swap3A_36], %broadcast_in_dim3A_34 {strides = array<i32>} : memref<1x1xf32, #tpu.memory_space<vmem>>, vector<1x1xf32>,
    } else {
    }
    %get3A_15 = arith.constant 0 : index
    %get3A_16 = arith.constant 0 : index
    %get3A_17 = vector.load %arg3[%get3A_15, %get3A_16] : memref<1x1xf32, #tpu.memory_space<vmem>>, vector<1x1xf32>
    %reshape3A = vector.broadcast %reduce_sum3A_12 : f32 to vector<1x1xf32>
    %add3A = arith.addf %get3A_17, %reshape3A : vector<1x1xf32>
    %swap3A = arith.constant 0 : index
    %swap3A_18 = arith.constant 0 : index
    %swap3A_19 = vector.load %arg3[%swap3A, %swap3A_18] : memref<1x1xf32, #tpu.memory_space<vmem>>, vector<1x1xf32>
    tpu.vector_store %arg3[%swap3A, %swap3A_18], %add3A {strides = array<i32>} : memref<1x1xf32, #tpu.memory_space<vmem>>, vector<1x1xf32>,
    %bitcast_convert_type3A = tpu.bitcast %get3A_3 : vector<1x13x128x125xf32> -> vector<1x13x128x125xi32>
    %slice3A = vector.extract_strided_slice %bitcast_convert_type3A {offsets = [0, 0, 0, 0], sizes = [1, 13, 64, 125], strides = [1, 1, 1, 1]} : vector<1x13x128x125xi32> to vector<1x13x64x125xi32>
    %shift_right_arithmetic3A = arith.constant 16 : i32
    %shift_right_arithmetic3A_20 = vector.broadcast %shift_right_arithmetic3A : i32 to vector<1x13x64x125xi32>
    %shift_right_arithmetic3A_21 = arith.shrsi %slice3A, %shift_right_arithmetic3A_20 : vector<1x13x64x125xi32>
    %and3A = arith.constant 65535 : i32
    %and3A_22 = vector.broadcast %and3A : i32 to vector<1x13x64x125xi32>
    %and3A_23 = arith.andi %shift_right_arithmetic3A_21, %and3A_22 : vector<1x13x64x125xi32>
    %slice3A_24 = vector.extract_strided_slice %bitcast_convert_type3A {offsets = [0, 0, 64, 0], sizes = [1, 13, 64, 125], strides = [1, 1, 1, 1]} : vector<1x13x128x125xi32> to vector<1x13x64x125xi32>
    %and3A_25 = arith.constant -65536 : i32
    %and3A_26 = vector.broadcast %and3A_25 : i32 to vector<1x13x64x125xi32>
    %and3A_27 = arith.andi %slice3A_24, %and3A_26 : vector<1x13x64x125xi32>
    %or3A = arith.ori %and3A_23, %and3A_27 : vector<1x13x64x125xi32>
    %swap3A_28 = arith.constant 0 : index
    %swap3A_29 = arith.constant 0 : index
    %swap3A_30 = arith.constant 0 : index
    %swap3A_31 = arith.constant 0 : index
    %swap3A_32 = vector.load %arg4[%swap3A_28, %swap3A_29, %swap3A_30, %swap3A_31] : memref<1x13x64x128xi32, #tpu.memory_space<vmem>>, vector<1x13x64x125xi32>
    tpu.vector_store %arg4[%swap3A_28, %swap3A_29, %swap3A_30, %swap3A_31], %or3A {strides = array<i32>} : memref<1x13x64x128xi32, #tpu.memory_space<vmem>>, vector<1x13x64x125xi32>,
    return
  }
  func.func @transform_0(%arg0: i32) -> (i32, i32, i32, i32) {
    %c0_i32 = arith.constant 0 : i32
    %c0_i32_0 = arith.constant 0 : i32
    %c0_i32_1 = arith.constant 0 : i32
    %c0_i32_2 = arith.constant 0 : i32
    return %arg0, %c0_i32, %c0_i32_0, %c0_i32_1 : i32, i32, i32, i32
  }
  func.func @transform_1(%arg0: i32) -> (i32, i32) {
    %c0_i32 = arith.constant 0 : i32
    %c0_i32_0 = arith.constant 0 : i32
    %c0_i32_1 = arith.constant 0 : i32
    return %c0_i32, %c0_i32_0 : i32, i32
  }
  func.func @transform_2(%arg0: i32) -> (i32, i32) {
    %c0_i32 = arith.constant 0 : i32
    %c0_i32_0 = arith.constant 0 : i32
    %c0_i32_1 = arith.constant 0 : i32
    return %c0_i32, %c0_i32_0 : i32, i32
  }
  func.func @transform_3(%arg0: i32) -> (i32, i32, i32, i32) {
    %c0_i32 = arith.constant 0 : i32
    %c0_i32_0 = arith.constant 0 : i32
    %c0_i32_1 = arith.constant 0 : i32
    %c0_i32_2 = arith.constant 0 : i32
    return %arg0, %c0_i32, %c0_i32_0, %c0_i32_1 : i32, i32, i32, i32
  }
}

</mosaic_0001>

<sc_bundles>
// kernel: kernel.4.cloned.1.call-start
scs
__scs_entry_jumppad:
0x0: {  	(pc) =	sbr.rel $0x88, $3  }
0x1: {  	(tag) =	ssettag $0x0;
	lr =	simm.s32 $0x1  }
0x2: {  	[smem:$0x3F9E] =	sst lr;
	_ =	strace $0xD0000000  }
0x3: {  	_ = 	snop  }
0x4: {  	_ = 	snop  }
0x5: {  	_ = 	snop  }
0x6: {  	_ = 	snop  }
0x7: {  	_ = 	snop  }
__scs_overlays_trampoline_lowered:
0x8: {  	[smem:$0x3FAD] =	sst s0  }
0x9: {  	[smem:$0x3FAE] =	sst s1  }
0xa: {  	[smem:$0x3FAF] =	sst s2  }
0xb: {  	[smem:$0x3FB0] =	sst s3  }
0xc: {  	[smem:$0x3FB1] =	sst s4  }
0xd: {  	[smem:$0x3FB2] =	sst s5  }
0xe: {  	[smem:$0x3FB3] =	sst s6  }
0xf: {  	[smem:$0x3FB4] =	sst s7  }
0x10: {  	[smem:$0x3FB5] =	sst s8  }
0x11: {  	[smem:$0x3FB6] =	sst s9;
	s0 =	simm.s32 @!p0 $0x0  }
0x12: {  	s1 =	sld [smem:$0x3F9C];
	s0 =	simm.s32 @p0 $0x1  }
0x13: {  	[smem:$0x3FB7] =	sst s0;
	s0 =	simm.s32 @!p1 $0x0  }
0x14: {  	s2 =	sld [smem:$0x3F9B];
	s0 =	simm.s32 @p1 $0x1  }
0x15: {  	[smem:$0x3FB8] =	sst s0;
	s0 =	simm.s32 @!p2 $0x0  }
0x16: {  	s3 =	sld [smem:$0x3FDB];
	s0 =	simm.s32 @p2 $0x1  }
0x17: {  	s4 =	simm.s32 $0x1BF5;
	[smem:$0x3FBA] =	sst s0  }
0x18: {  	s0 =	sld [smem:$0x3F9D];
	_ =	swait.ge [sflag:s4], $0x0  }
0x19: {  	s7 =	sld [smem:$0x3F9E]  }
0x1a: {  	s8 =	sadd.s32 $0xFFFFE003, lr  }
0x1b: {  	s9 =	sadd.s32 $0xFFFFFEF7, lr;
	s5 =	simm.s32 $0xFFFFFFFF;
	p2 =	slt.u32 s8, $0xFFFFF086  }
0x1c: {  	p1 =	slt.u32 s9, $0xF7A;
	s5 =	simm.s32 @!p2 $0x0  }
0x1d: {  	s5 =	simm.s32 @p1 $0x1;
	p0 =	seq.s32 s7, s2  }
0x1e: {  	s7 =	smul.u32 @!p0 $0xF7A, s2;
	p2 =	seq.s32 @!p0 s5, $0x0  }
0x1f: {  	s9 =	smul.u32 $0xF7A, s1;
	s8 =	simm.s32 @!p0 $0x1BF5;
	p2 =	por !p2, p0  }
0x20: {  	[sflag:s8] =	ssyncset.s32 @!p0 $0xFFFFF086;
	s6 =	sadd.s32 @!p0 s3, s7;
	s7 =	simm.s32 @!p0 $0x108  }
0x21: {  	s3 =	sadd.s32 s3, s9;
	s6 =	sadd.s32 @!p0 $0x88, s6;
	s7 =	simm.s32 @p2 $0x1082  }
0x22: {  	[simem:s7], [sflag:s8] =	dma.local @!p0 [hbm:s6], $0xF7A  }
0x23: {  	s9 =	sor.u32 $0xD0000000, s2;
	s6 =	simm.s32 $0x108;
	_ =	swait.ge @!p0 [sflag:s8], $0x0  }
0x24: {  	s3 =	sadd.s32 $0x88, s3;
	s6 =	simm.s32 @!p1 $0x1082;
	[sflag:s4] =	ssyncset.s32 $0xFFFFF086  }
0x25: {  	[simem:s6], [sflag:s4] =	dma.local [hbm:s3], $0xF7A  }
0x26: {  	[smem:$0x3F9E] =	sst s1;
	(tag) =	ssettag s2;
	_ =	strace s9  }
0x27: {  	s1 =	sld [smem:$0x3FAE]  }
0x28: {  	s2 =	sld [smem:$0x3FAF]  }
0x29: {  	s4 =	sld [smem:$0x3FB1]  }
0x2a: {  	p0 =	seq.s32 s5, $0x0;
	s5 =	sld [smem:$0x3FB2]  }
0x2b: {  	s6 =	sld [smem:$0x3FB3]  }
0x2c: {  	s7 =	sld [smem:$0x3FB4]  }
0x2d: {  	s3 =	simm.s32 $0x108;
	s8 =	sld [smem:$0x3FB5]  }
0x2e: {  	s3 =	simm.s32 @!p0 $0x1082;
	s9 =	sld [smem:$0x3FB6]  }
0x2f: {  	lr =	sadd.s32 s0, s3;
	s0 =	sld [smem:$0x3FAD]  }
0x30: {  	s3 =	sld [smem:$0x3FB0]  }
0x31: {  	[smem:$0x3FB9] =	sst s10  }
0x32: {  	s10 =	sld [smem:$0x3FB7];
	_ =	sdelay $0x3  }
0x33: {  	p0 =	seq.s32 s10, $0x1;
	s10 =	sld [smem:$0x3FB9];
	_ =	sdelay $0x3  }
0x34: {  	[smem:$0x3FB9] =	sst s10  }
0x35: {  	s10 =	sld [smem:$0x3FB8];
	_ =	sdelay $0x3  }
0x36: {  	p1 =	seq.s32 s10, $0x1;
	s10 =	sld [smem:$0x3FB9];
	_ =	sdelay $0x3  }
0x37: {  	[smem:$0x3FB9] =	sst s10  }
0x38: {  	s10 =	sld [smem:$0x3FBA]  }
0x39: {  	_ = 	snop;
	(pc) =	sbr.ind lr, $3  }
0x3a: {  	_ = 	snop  }
0x3b: {  	_ = 	snop  }
0x3c: {  	p2 =	seq.s32 s10, $0x1;
	s10 =	sld [smem:$0x3FB9]  }
0x3d: {  	_ =	shalt  }
0x3e: {  	_ =	shalt  }
0x3f: {  	_ =	shalt  }
0x40: {  	_ =	shalt  }
0x41: {  	_ =	shalt  }
0x42: {  	_ =	shalt  }
0x43: {  	_ =	shalt  }
0x44: {  	_ =	shalt  }
0x45: {  	_ =	shalt  }
0x46: {  	_ =	shalt  }
0x47: {  	_ =	shalt  }
0x48: {  	_ =	shalt  }
0x49: {  	_ =	shalt  }
0x4a: {  	_ =	shalt  }
0x4b: {  	_ =	shalt  }
0x4c: {  	_ =	shalt  }
0x4d: {  	_ =	shalt  }
0x4e: {  	_ =	shalt  }
0x4f: {  	_ =	shalt  }
0x50: {  	_ =	shalt  }
0x51: {  	_ =	shalt  }
0x52: {  	_ =	shalt  }
0x53: {  	_ =	shalt  }
0x54: {  	_ =	shalt  }
0x55: {  	_ =	shalt  }
0x56: {  	_ =	shalt  }
0x57: {  	_ =	shalt  }
0x58: {  	_ =	shalt  }
0x59: {  	_ =	shalt  }
0x5a: {  	_ =	shalt  }
0x5b: {  	_ =	shalt  }
0x5c: {  	_ =	shalt  }
0x5d: {  	_ =	shalt  }
0x5e: {  	_ =	shalt  }
0x5f: {  	_ =	shalt  }
0x60: {  	_ =	shalt  }
0x61: {  	_ =	shalt  }
0x62: {  	_ =	shalt  }
0x63: {  	_ =	shalt  }
0x64: {  	_ =	shalt  }
0x65: {  	_ =	shalt  }
0x66: {  	_ =	shalt  }
0x67: {  	_ =	shalt  }
0x68: {  	_ =	shalt  }
0x69: {  	_ =	shalt  }
0x6a: {  	_ =	shalt  }
0x6b: {  	_ =	shalt  }
0x6c: {  	_ =	shalt  }
0x6d: {  	_ =	shalt  }
0x6e: {  	_ =	shalt  }
0x6f: {  	_ =	shalt  }
0x70: {  	_ =	shalt  }
0x71: {  	_ =	shalt  }
0x72: {  	_ =	shalt  }
0x73: {  	_ =	shalt  }
0x74: {  	_ =	shalt  }
0x75: {  	_ =	shalt  }
0x76: {  	_ =	shalt  }
0x77: {  	_ =	shalt  }
0x78: {  	_ =	shalt  }
0x79: {  	_ =	shalt  }
0x7a: {  	_ =	shalt  }
0x7b: {  	_ =	shalt  }
0x7c: {  	_ =	shalt  }
0x7d: {  	_ =	shalt  }
0x7e: {  	_ =	shalt  }
0x7f: {  	_ =	shalt  }
0x80: {  	_ =	shalt  }
0x81: {  	_ =	shalt  }
0x82: {  	_ =	shalt  }
0x83: {  	_ =	shalt  }
0x84: {  	_ =	shalt  }
0x85: {  	_ =	shalt  }
0x86: {  	_ =	shalt  }
0x87: {  	_ =	shalt  }
.Lfunc_end0:
.L_simem_size_0:
called_computation_lowered:
.L_overlay_start_0:
0x88: {  	s2 =	sld [smem:$0x3FD9]  }
0x89: {  	s3 =	sld [smem:$0x3FFE];
	_ =	sdelay $0x1  }
0x8a: {  	s1 =	srdreg.scid  }
0x8b: {  	s0 =	sand.u32 $0x1, s1  }
0x8c: {  	s16 =	sshll.u32 s0, $0xA;
	s2 =	sadd.s32 s3, s2  }
0x8d: {  	s2 =	sadd.s32 s2, s16  }
0x8e: {  	[smem:$0x3FC5] =	sst s2  }
0x8f: {  	_ = 	snop  }
0x90: {  	(tm) =	ssettm $0x1  }
0x91: {  	s17 =	sld [smem:$0x3FFB];
	_ =	sdelay $0x3  }
0x92: {  	_ =	strace s17  }
0x93: {  	s2 =	sld [smem:$0x3FFC];
	_ =	sdelay $0x3  }
0x94: {  	_ =	strace s2  }
0x95: {  	s2 =	sld [smem:$0x3FFD];
	_ =	sdelay $0x3  }
0x96: {  	_ =	strace s2  }
0x97: {  	_ =	strace $0x8FFFFFFF  }
0x98: {  	s18 =	sld [smem:$0x3FDB];
	_ =	sdelay $0x1  }
0x99: {  	s19 =	simm.s32 $_scs_section_size  }
0x9a: {  	s4 =	simm.s32 $_size__tile_overlayer_lowered;
	s5 =	simm.s32 $_tile_overlayer_lowered  }
0x9b: {  	s22 =	simm.s32 $0x1BFF;
	s21 =	sshll.u32 s5, $0x1;
	s2 =	sadd.s32 s19, s18  }
0x9c: {  	s6 =	simm.s32 $0x0;
	s20 =	sshll.u32 s4, $0x1;
	s4 =	sadd.s32 s21, s2  }
0x9d: {  	[timem:s6], [sflag:s22] =	dma.local [hbm:s4], s20  }
0x9e: {  	_ =	swait.ge [sflag:s22], s20  }
0x9f: {  	s3 =	ssub.s32 $0x0, s20;
	[sflag:s22] =	ssyncset.done $0x0  }
0xa0: {  	[sflag:s22] =	ssyncadd.s32 s3;
	_ =	sdelay $0x1  }
0xa1: {  	s23 =	simm.s32 $0x1B8B  }
0xa2: {  	_ =	swait.ge [sflag:s23], $0x1  }
0xa3: {  	[sflag:s23] =	ssyncset.done $0x0  }
0xa4: {  	s25 =	simm.s32 $0x1B8E;
	s24 =	sld [smem:$0x3FFE];
	[sflag:s23] =	ssyncadd.s32 $0xFFFFFFFF  }
0xa5: {  	s26 =	simm.s32 $execute0_lowered;
	[smem:$0x3FD2] =	sst s25  }
0xa6: {  	s4 =	sshll.u32 s26, $0x1;
	_ =	strace $0x80000046;
	[dreg:$0x1] =	wrdreg $0xFFFFFFFF  }
0xa7: {  	s28 =	simm.s32 $_size_execute0_lowered;
	s2 =	sadd.s32 s2, s4;
	[dreg:$0x0] =	wrdreg $0x0  }
0xa8: {  	s4 =	sshll.u32 s28, $0x1;
	[dreg:$0x2] =	wrdreg s2  }
0xa9: {  	[dreg:$0x3] =	wrdreg s4  }
0xaa: {  	[dreg:$0x4] =	wrdreg $0xC0  }
0xab: {  	_ =	task [dreg:s6], $0x5FFFF  }
0xac: {  	[dreg:$0x1] =	wrdreg $0xFFFFFFFF  }
0xad: {  	[dreg:$0x0] =	wrdreg $0x60  }
0xae: {  	[dreg:$0x2] =	wrdreg s24  }
0xaf: {  	[dreg:$0x3] =	wrdreg $0x9  }
0xb0: {  	_ =	task.clear_ibuf [dreg:s6], $0x4FFFF;
	_ =	strace $0x90000046  }
0xb1: {  	s29 =	simm.s32 $0x9;
	_ =	strace $0x80000048  }
0xb2: {  	_ =	swait.ge [sflag:s29], $0x1  }
0xb3: {  	[sflag:s29] =	ssyncadd.s32 $0xFFFFFFFF  }
0xb4: {  	_ =	strace $0x90000048  }
0xb5: {  	_ =	sfence  }
0xb6: {  	s30 =	sld [smem:$0x0];
	_ =	sdelay $0x2  }
0xb7: {  	s31 =	sshll.u32 s1, $0xD;
	s1 =	sshrl.u32 s1, $0x2  }
0xb8: {  	s3 =	sand.u32 $0x4000, s31;
	s1 =	sadd.s32 s1, s30  }
0xb9: {  	s0 =	sor.u32 s3, s0;
	s1 =	sshll.u32 s1, $0x11  }
0xba: {  	s0 =	sor.u32 s1, s0  }
0xbb: {  	s0 =	sadd.s32 $0x8F2B, s0  }
0xbc: {  	[sflag:s0] =	ssyncadd.remote.s32 $0x1  }
0xbd: {  	_ =	sfence.sel $0xFFFF  }
0xbe: {  	[dreg:$0x0] =	wrdreg $0xFFFFFFFF;
	(pc) =	sbr.abs _section_cstart, $3  }
0xbf: {  	[dreg:$0x1] =	wrdreg $0xFFFFFFFF  }
0xc0: {  	_ =	task.clear_ibuf [dreg:s6], $0x2FFFF;
	_ =	strace $0x9FFFFFFF  }
0xc1: {  	(tm) =	ssettm $0x7FFFFFFF  }
tec
execute0_lowered:
.L_overlay_start_1:
0x0: {  	(tag) =	ssettag $0x1  }
0x1: {  	v0 =	vimm.s32 $0xC080400;
	vm0 =	vcmask $0xF00  }
0x2: {  	v1 =	vimm.s32 $0x1C181410;
	v2 =	vimm.s32 $0xD090501;
	v3 =	vimm.s32 $0x76543210  }
0x3: {  	vm1 =	vcmask $0x1F10;
	v4 =	vimm.s32 $0xE0A0602;
	v5 =	vimm.s32 $0x1E1A1612  }
0x4: {  	v6 =	vimm.s32 $0xF0B0703;
	vm7 =	vcmask $0x1F00;
	v7 =	vimm.s32 $0x87654321  }
0x5: {  	v8 =	vimm.s32 $0xFFFEDCBA;
	v9 =	vimm.s32 $0x98765432;
	v0 =	vunpack.c.0.s8.s32 v0  }
0x6: {  	v10 =	vimm.s32 $0xA9876543;
	v1 =	vunpack.c.0.s8.s32 v1;
	v2 =	vunpack.c.0.s8.s32 v2  }
0x7: {  	v12 =	vimm.s32 $0xBA987654;
	v3 =	vunpack.c.l.s4.s8 v3;
	v0 =	vnsel vm0, $0x1C, v0  }
0x8: {  	v0 =	vsel vm1, v1, v0;
	v1 =	vnsel vm0, $0x1D, v2;
	v2 =	vimm.s32 $0x1D191511  }
0x9: {  	v4 =	vunpack.c.0.s8.s32 v4;
	v3 =	vunpack.c.0.s8.s32 v3;
	v2 =	vunpack.c.0.s8.s32 v2  }
0xa: {  	v14 =	vimm.s32 $0xDCBA9876;
	v5 =	vunpack.c.0.s8.s32 v5;
	v6 =	vunpack.c.0.s8.s32 v6  }
0xb: {  	v1 =	vsel vm1, v2, v1;
	v2 =	vnsel vm7, $0x7, v3;
	v3 =	vnsel vm0, $0x1E, v4  }
0xc: {  	vm2 =	vcmask $0x3F20;
	v3 =	vsel vm1, v5, v3;
	v5 =	vimm.s32 $0x1F1B1713  }
0xd: {  	v4 =	vnsel vm0, $0x1F, v6;
	v6 =	vimm.s32 $0xFFEDCBA9;
	v5 =	vunpack.c.0.s8.s32 v5  }
0xe: {  	v7 =	vunpack.c.l.s4.s8 v7;
	v8 =	vunpack.c.l.s4.s8 v8;
	v6 =	vunpack.c.l.s4.s8 v6  }
0xf: {  	v4 =	vsel vm1, v5, v4;
	v5 =	vunpack.c.l.s4.s8 v9;
	v9 =	vunpack.c.l.s4.s8 v10  }
0x10: {  	vm3 =	vmmov $0x1f;
	v7 =	vunpack.c.0.s8.s32 v7;
	v10 =	vunpack.c.0.s8.s32 v6  }
0x11: {  	v8 =	vunpack.c.0.s8.s32 v8;
	v11 =	vunpack.c.0.s8.s32 v5;
	v9 =	vunpack.c.0.s8.s32 v9  }
0x12: {  	v12 =	vunpack.c.l.s4.s8 v12;
	vm0 =	vcmask $0x2F20;
	v10 =	vcombine.low v7, v10  }
0x13: {  	s4 =	rddreg [dreg:$0x0];
	v13 =	vcombine.low v11, v8;
	v7 =	vand.u32 $0xF, v9;
	v9 =	vimm.s32 $0xCBA98765  }
0x14: {  	s0 =	rddreg [dreg:$0x1];
	s3 =	srdreg.scid;
	v8 =	vunpack.c.0.s8.s32 v12;
	v11 =	vimm.s32 $0xE0D0C0B;
	v9 =	vunpack.c.l.s4.s8 v9  }
0x15: {  	s2 =	simm.s32 $0x0;
	s1 =	stileid.u32;
	s11 =	simm.s32 $0x1280;
	v12 =	vimm.s32 $0xF0E0D0C;
	v7 =	vnsel vm7, $0xF, v7;
	v11 =	vunpack.c.0.s8.s32 v11  }
0x16: {  	s12 =	simm.s32 $0x1;
	s13 =	simm.s32 $0x2;
	s14 =	simm.s32 $0x1000;
	v12 =	vunpack.c.0.s8.s32 v12;
	v8 =	vand.u32 $0xF, v8;
	v9 =	vunpack.c.0.s8.s32 v9  }
0x17: {  	s15 =	simm.s32 $0x20;
	s16 =	simm.s32 $0x3;
	s17 =	simm.s32 $0x1480;
	v8 =	vnsel vm7, $0xF, v8;
	v7 =	vsel vm0, v11, v7;
	v11 =	vimm.s32 $0xF0F0E0D  }
0x18: {  	s18 =	simm.s32 $0x1500;
	s19 =	simm.s32 $0x4;
	s20 =	simm.s32 $0x0;
	v8 =	vsel vm0, v12, v8;
	v11 =	vunpack.c.0.s8.s32 v11;
	v12 =	vand.u32 $0xF, v9  }
0x19: {  	vm4 =	vmmov $0xf;
	s6 =	sand.u32 $0x1, s3;
	[smem:$0x7FF] =	sst s2;
	s5 =	sshll.u32 s1, $0x7;
	v14 =	vunpack.c.l.s4.s8 v14;
	v12 =	vnsel vm7, $0xF, v12  }
0x1a: {  	vm6 =	vcmask $0x2320;
	s3 =	sadd.s32 $0x1800, s4;
	s29 =	sshll.u32 s1, $0x5;
	s31 =	sshll.u32 s1, $0x3;
	v11 =	vsel vm0, v11, v12;
	v12 =	vimm.s32 $0xEDCBA987  }
0x1b: {  	vm5 =	vmmov $0x7;
	s7 =	sshll.u32 s6, $0x6;
	_ =	strace $0x80000047;
	s8 =	sshll.u32 s6, $0x4;
	v14 =	vunpack.c.0.s8.s32 v14;
	v15 =	vunpack.c.l.s4.s8 v12  }
0x1c: {  	s9 =	ssub.s32 $0x2, s6;
	s10 =	sshll.u32 s6, $0x2;
	s5 =	sor.u32 s7, s5;
	v6 =	vimm.f32 $1.017000000e-01;
	vm1 =	vmmov $0x3f;
	v5 =	vimm.s32 $0x0  }
0x1d: {  	s7 =	sor.u32 s8, s29;
	s30 =	sshrl.u32 s9, $0x1;
	s5 =	sadd.s32 s5, s4;
	v12 =	vand.u32 $0xF, v13;
	v13 =	vand.u32 $0xF, v14;
	v14 =	vunpack.c.0.s8.s32 v15  }
0x1e: {  	s7 =	sadd.s32 s7, s4;
	s8 =	ssub.s32 s9, s30;
	s4 =	sadd.s32 $0x800, s5;
	v10 =	vand.u32 $0xF, v10;
	v9 =	vimm.f32 $1.331884560e-01;
	v13 =	vnsel vm7, $0xF, v13  }
0x1f: {  	s6 =	sadd.s32 $0x2BC00, s7;
	s7 =	smax.u32 s8, $0x1;
	s8 =	sor.u32 s10, s31;
	vm0 =	vmmov $0x7f;
	v13 =	vsel vm6, $0xE, v13;
	v14 =	vand.u32 $0xF, v14  }
0x20: {  	s5 =	sadd.s32 $0x1000, s5;
	s10 =	simm.s32 $0x1080;
	s9 =	sand.u32 $0x3C, s8;
	vm6 =	vmmov $0x3;
	v14 =	vnsel vm7, $0xF, v14;
	vm7 =	vmmov $0x1  }
.LBB2_1:
0x21: {  	[tilespmem:s10], [sflag:$0x1] =	stream.linear.gather [hbm4b:s4+s2], $0x200, $0x38;
	[tilespmem:$0x1580] =	vst v63  }
0x22: {  	_ = 	snop  }
0x23: {  	[tilespmem:s11], [sflag:$0x2] =	stream.linear.gather [hbm4b:s5+s2], $0x200, $0x38;
	[tilespmem:$0x1580] =	vst v63  }
0x24: {  	s21 =	simm.s32 $0x0;
	_ =	swait.ge [sflag:s12], $0x200  }
0x25: {  	v15 =	vor.u32 s21, v0;
	[sflag:s12] =	ssyncset.done $0x0  }
0x26: {  	[sflag:s12] =	ssyncadd.s32 $0xFFFFFE00  }
0x27: {  	v16 =	vor.u32 s21, v1;
	_ =	swait.ge [sflag:s13], $0x200  }
0x28: {  	[sflag:s13] =	ssyncset.done $0x0  }
0x29: {  	[sflag:s13] =	ssyncadd.s32 $0xFFFFFE00  }
0x2a: {  	v15 =	vld.idx.msk [tilespmem:v15+s10+$0x0], $0xffff;
	_ =	sdelay $0x1  }
0x2b: {  	v16 =	vld.idx.msk [tilespmem:v16+s10+$0x0], $0xffff;
	_ =	sdelay $0x2  }
0x2c: {  	v15 =	vmul.f32 $1.300000000e+01, v15;
	_ =	sdelay $0x1  }
0x2d: {  	v16 =	vmul.f32 $1.300000000e+01, v16;
	v15 =	vtrunc.f32 v15  }
0x2e: {  	v15 =	vcvt.f32.s32 v15  }
0x2f: {  	v16 =	vtrunc.f32 v16  }
0x30: {  	v16 =	vcvt.f32.s32 v16;
	vm8 =	vgt.s32 v15, $0x0  }
0x31: {  	v15 =	vnsel vm8, $0x0, v15  }
0x32: {  	s25 =	simm.s32 $0x80;
	s24 =	simm.s32 $0x2;
	vm8 =	vgt.s32 v16, $0x0;
	v15 =	vmin.u32 v15, $0xC  }
0x33: {  	s23 =	simm.s32 $0x0;
	s22 =	simm.s32 $0x0;
	s21 =	simm.s32 $0x1;
	v17 =	vnsel vm8, $0x0, v16;
	v16 =	vmul.u32 $0xD, v15;
	v15 =	vor.u32 s2, v2  }
.LBB2_2:
0x34: {  	p0 =	sne.s32 s24, $0x3;
	v18 =	vor.u32 s25, v0;
	v17 =	vmin.u32 v17, $0xC  }
0x35: {  	v16 =	vadd.s32 v17, v16  }
0x36: {  	v17 =	vor.u32 s25, v1;
	s25 =	sadd.s32 s23, s9;
	s23 =	smov.u32 s21;
	s21 =	smov.u32 s24;
	v16 =	vshll.u32 v16, $0x6  }
0x37: {  	v16 =	vadd.s32 s25, v16  }
0x38: {  	[tilespmem:v15+s14+$0x0] =	vst.idx.msk $0xff, v16  }
0x39: {  	v15 =	vld.idx.msk [tilespmem:v18+s10+$0x0], $0xffff;
	_ =	sdelay $0x1  }
0x3a: {  	v16 =	vld.idx.msk [tilespmem:v17+s10+$0x0], $0xffff;
	_ =	sdelay $0x3  }
0x3b: {  	v15 =	vmul.f32 $1.300000000e+01, v15;
	_ =	sdelay $0x1  }
0x3c: {  	v15 =	vtrunc.f32 v15;
	v16 =	vmul.f32 $1.300000000e+01, v16  }
0x3d: {  	v15 =	vcvt.f32.s32 v15  }
.Ltmp0:
0x3e: {  	v16 =	vtrunc.f32 v16;
	(pc) =	sbr.rel @p0 .LBB2_2-.Ltmp0, $4  }
0x3f: {  	vm8 =	vgt.s32 v15, $0x0;
	v16 =	vcvt.f32.s32 v16  }
0x40: {  	v15 =	vnsel vm8, $0x0, v15  }
0x41: {  	s22 =	sadd.s32 $0x8, s22;
	v15 =	vmin.u32 v15, $0xC;
	vm8 =	vgt.s32 v16, $0x0  }
0x42: {  	s24 =	sadd.s32 $0x1, s24;
	s25 =	sshll.u32 s21, $0x7;
	v17 =	vnsel vm8, $0x0, v16;
	v16 =	vmul.u32 $0xD, v15;
	v15 =	vor.u32 s22, v2  }
0x43: {  	v18 =	vor.u32 s25, v0;
	v17 =	vmin.u32 v17, $0xC  }
0x44: {  	v16 =	vadd.s32 v17, v16  }
0x45: {  	s23 =	sadd.s32 s23, s9;
	v17 =	vor.u32 s25, v1;
	v16 =	vshll.u32 v16, $0x6  }
0x46: {  	v16 =	vadd.s32 s23, v16  }
0x47: {  	[tilespmem:v15+s14+$0x0] =	vst.idx.msk $0xff, v16  }
0x48: {  	v15 =	vld.idx.msk [tilespmem:v18+s10+$0x0], $0xffff;
	_ =	sdelay $0x1  }
0x49: {  	v16 =	vld.idx.msk [tilespmem:v17+s10+$0x0], $0xffff;
	_ =	sdelay $0x2  }
0x4a: {  	v15 =	vmul.f32 $1.300000000e+01, v15;
	_ =	sdelay $0x1  }
0x4b: {  	v16 =	vmul.f32 $1.300000000e+01, v16;
	v15 =	vtrunc.f32 v15  }
0x4c: {  	v15 =	vcvt.f32.s32 v15  }
0x4d: {  	v16 =	vtrunc.f32 v16  }
0x4e: {  	v16 =	vcvt.f32.s32 v16;
	vm8 =	vgt.s32 v15, $0x0  }
0x4f: {  	v15 =	vnsel vm8, $0x0, v15  }
0x50: {  	s22 =	sadd.s32 $0x8, s22;
	vm8 =	vgt.s32 v16, $0x0;
	v15 =	vmin.u32 v15, $0xC  }
0x51: {  	v17 =	vor.u32 s22, v2;
	v16 =	vnsel vm8, $0x0, v16;
	v15 =	vmul.u32 $0xD, v15  }
0x52: {  	v16 =	vmin.u32 v16, $0xC  }
0x53: {  	v15 =	vadd.s32 v16, v15  }
0x54: {  	s21 =	sadd.s32 s21, s9;
	v15 =	vshll.u32 v15, $0x6  }
0x55: {  	v15 =	vadd.s32 s21, v15  }
0x56: {  	s21 =	simm.s32 $0x0;
	[tilespmem:v17+s14+$0x0] =	vst.idx.msk $0xff, v15  }
0x57: {  	[tilespmem:s21], [sflag:$0x3] =	stream.indirect.gather [hbm4b:s3+s15], $0x80, s14, s15, $0xb8;
	[tilespmem:$0x1580] =	vst v63  }
0x58: {  	_ =	swait.ge [sflag:s16], $0x1000  }
0x59: {  	[sflag:s16] =	ssyncset.done $0x0  }
0x5a: {  	s22 =	simm.s32 $0x0;
	v15 =	vimm.f32 $0.0e+00;
	[sflag:s16] =	ssyncadd.s32 $0xFFFFF000  }
.LBB2_4:
0x5b: {  	s23 =	sshll.u32 s22, $0x7  }
0x5c: {  	v16 =	vor.u32 s23, v0  }
0x5d: {  	v17 =	vor.u32 s23, v1  }
0x5e: {  	v22 =	vor.u32 s23, v3  }
0x5f: {  	v21 =	vor.u32 s21, v2;
	v23 =	vor.u32 s23, v4  }
0x60: {  	v20 =	vshll.u32 v21, $0x7  }
0x61: {  	v50 =	vor.u32 $0x1, v20;
	v18 =	vld.idx.msk [tilespmem:v16+s10+$0x0], $0xffff  }
0x62: {  	v51 =	vor.u32 $0x2, v20;
	v19 =	vld.idx.msk [tilespmem:v17+s10+$0x0], $0xffff  }
0x63: {  	v24 =	vor.u32 $0x3, v20;
	v17 =	vld.idx.msk [tilespmem:v22+s10+$0x0], $0xffff  }
0x64: {  	v30 =	vor.u32 $0x1B, v20;
	v16 =	vld.idx.msk [tilespmem:v23+s10+$0x0], $0xffff  }
0x65: {  	v31 =	vor.u32 $0x1C, v20;
	v25 =	vld.idx.msk [tilespmem:v20+s2+$0x0], $0xffff  }
0x66: {  	v33 =	vor.u32 $0x1A, v20;
	v26 =	vld.idx.msk [tilespmem:v50+s2+$0x0], $0xffff  }
0x67: {  	v36 =	vor.u32 $0x34, v20;
	v28 =	vld.idx.msk [tilespmem:v51+s2+$0x0], $0xffff  }
0x68: {  	v37 =	vor.u32 $0x35, v20;
	v24 =	vld.idx.msk [tilespmem:v24+s2+$0x0], $0xffff  }
0x69: {  	v30 =	vld.idx.msk [tilespmem:v30+s2+$0x0], $0xffff  }
0x6a: {  	v53 =	vor.u32 $0x19, v20;
	v58 =	vld.idx.msk [tilespmem:v31+s2+$0x0], $0xffff  }
0x6b: {  	v60 =	vor.u32 $0x32, v20;
	v61 =	vor.u32 $0x33, v20;
	v49 =	vor.u32 $0x4D, v20;
	v33 =	vld.idx.msk [tilespmem:v33+s2+$0x0], $0xffff  }
0x6c: {  	s24 =	sadd.s32 s22, s8;
	v41 =	vor.u32 $0x4E, v20;
	v44 =	vld.idx.msk [tilespmem:v36+s2+$0x0], $0xffff;
	v51 =	vor.u32 $0x4B, v20;
	v52 =	vsub.f32 v17, v18  }
0x6d: {  	p0 =	sgt.u32 s24, $0x3F;
	v37 =	vld.idx.msk [tilespmem:v37+s2+$0x0], $0xffff;
	v27 =	vsub.f32 v16, v19;
	v29 =	vand.u32 $0xFFFF0000, v25;
	v25 =	vshll.u32 v25, $0x10  }
0x6e: {  	v25 =	vpsel p0, v29, v25;
	v54 =	vand.u32 $0xFFFF0000, v26;
	v32 =	vand.u32 $0xFFFF0000, v28  }
0x6f: {  	v28 =	vshll.u32 v28, $0x10;
	v55 =	vand.u32 $0xFFFF0000, v24;
	v24 =	vshll.u32 v24, $0x10  }
0x70: {  	v26 =	vshll.u32 v26, $0x10;
	v62 =	vand.u32 $0xFFFF0000, v30;
	v30 =	vshll.u32 v30, $0x10  }
0x71: {  	v41 =	vld.idx.msk [tilespmem:v41+s2+$0x0], $0xffff;
	v38 =	vand.u32 $0xFFFF0000, v58;
	v39 =	vand.u32 $0xFFFF0000, v33;
	v33 =	vshll.u32 v33, $0x10  }
0x72: {  	v40 =	vand.u32 $0xFFFF0000, v44;
	v42 =	vand.u32 $0xFFFF0000, v37;
	v37 =	vshll.u32 v37, $0x10  }
0x73: {  	v22 =	vadd.f32 $1.000000000e+00, v52;
	v23 =	vadd.f32 $1.000000000e+00, v27;
	v28 =	vpsel p0, v32, v28  }
0x74: {  	v24 =	vpsel p0, v55, v24;
	v26 =	vpsel p0, v54, v26;
	v56 =	vmax.f32 v18, v25  }
0x75: {  	v27 =	vld.idx.msk [tilespmem:v53+s2+$0x0], $0xffff;
	v30 =	vpsel p0, v62, v30;
	v63 =	vpsel p0, v39, v33;
	v37 =	vpsel p0, v42, v37  }
0x76: {  	v32 =	vld.idx.msk [tilespmem:v61+s2+$0x0], $0xffff;
	v53 =	vor.u32 $0x4C, v20;
	v61 =	vor.u32 $0x67, v20;
	v62 =	vand.u32 $0xFFFF0000, v41  }
0x77: {  	v41 =	vshll.u32 v41, $0x10;
	v28 =	vmul.f32 $1.017000000e-01, v28;
	v24 =	vmul.f32 $1.331884560e-01, v24  }
0x78: {  	v57 =	vmax.f32 v19, v26;
	v30 =	vmul.f32 $2.455961560e-01, v30;
	v45 =	vmax.f32 v19, v63  }
0x79: {  	v37 =	vmul.f32 $6.229938270e-01, v37;
	v22 =	vmul.f32 v23, v22;
	v34 =	vmin.f32 v17, v28  }
0x7a: {  	v39 =	vld.idx.msk [tilespmem:v49+s2+$0x0], $0xffff;
	v25 =	vsub.f32 v28, v25;
	v59 =	vmin.f32 v16, v24;
	v28 =	vshll.u32 v58, $0x10  }
0x7b: {  	v24 =	vsub.f32 v24, v26;
	v46 =	vmin.f32 v17, v30;
	v29 =	vsub.f32 v34, v56  }
0x7c: {  	v31 =	vsub.f32 v59, v57;
	v28 =	vpsel p0, v38, v28;
	v57 =	vor.u32 $0x64, v20  }
0x7d: {  	v59 =	vor.u32 $0x66, v20;
	v25 =	vadd.f32 $1.000000000e+00, v25;
	v35 =	vand.u32 $0xFFFF0000, v27  }
0x7e: {  	v27 =	vshll.u32 v27, $0x10;
	v28 =	vmul.f32 $3.084184530e-01, v28;
	v52 =	vand.u32 $0xFFFF0000, v32  }
0x7f: {  	v34 =	vld.idx.msk [tilespmem:v60+s2+$0x0], $0xffff;
	v32 =	vshll.u32 v32, $0x10;
	v60 =	vand.u32 $0xFFFF0000, v39;
	v39 =	vshll.u32 v39, $0x10  }
0x80: {  	v24 =	vadd.f32 $1.000000000e+00, v24;
	v27 =	vpsel p0, v35, v27;
	v35 =	vshll.u32 v44, $0x10  }
0x81: {  	v54 =	vpsel p0, v52, v32;
	v39 =	vpsel p0, v60, v39;
	v43 =	vmax.f32 v18, v27  }
0x82: {  	v47 =	vmin.f32 v16, v28;
	v27 =	vsub.f32 v30, v27;
	v35 =	vpsel p0, v40, v35  }
0x83: {  	v26 =	vsub.f32 v28, v63;
	v38 =	vmax.f32 v19, v54;
	v28 =	vsub.f32 v37, v54  }
0x84: {  	v39 =	vmul.f32 $7.285476920e-01, v39;
	v40 =	vpsel p0, v62, v41;
	v24 =	vmul.f32 v24, v25  }
0x85: {  	v58 =	vld.idx.msk [tilespmem:v53+s2+$0x0], $0xffff;
	v33 =	vsub.f32 v46, v43;
	v36 =	vsub.f32 v47, v45;
	v35 =	vmul.f32 $3.889130950e-01, v35  }
0x86: {  	v43 =	vmin.f32 v16, v37;
	v45 =	vor.u32 $0x65, v20;
	v40 =	vmul.f32 $3.723484580e-01, v40  }
0x87: {  	v48 =	vand.u32 $0xFFFF0000, v34;
	v34 =	vshll.u32 v34, $0x10;
	v38 =	vsub.f32 v43, v38  }
0x88: {  	v49 =	vmin.f32 v17, v39;
	v27 =	vadd.f32 $1.000000000e+00, v27;
	v26 =	vadd.f32 $1.000000000e+00, v26  }
0x89: {  	v63 =	vld.idx.msk [tilespmem:v57+s2+$0x0], $0xffff;
	v24 =	vadd.f32 v24, v22;
	v28 =	vadd.f32 $1.000000000e+00, v28;
	v50 =	vpsel p0, v48, v34  }
0x8a: {  	v37 =	vld.idx.msk [tilespmem:v59+s2+$0x0], $0xffff;
	v56 =	vmin.f32 v17, v35;
	v47 =	vand.u32 $0xFFFF0000, v58;
	v55 =	vmax.f32 v18, v50  }
0x8b: {  	v43 =	vld.idx.msk [tilespmem:v61+s2+$0x0], $0xffff;
	v30 =	vsub.f32 v35, v50;
	v35 =	vshll.u32 v58, $0x10;
	v50 =	vmin.f32 v16, v40  }
0x8c: {  	v34 =	vld.idx.msk [tilespmem:v51+s2+$0x0], $0xffff;
	v26 =	vmul.f32 v26, v27;
	v32 =	vsub.f32 v56, v55;
	v35 =	vpsel p0, v47, v35  }
0x8d: {  	v47 =	vadd.f32 $1.000000000e+00, v38;
	v46 =	vmax.f32 v19, v35;
	v35 =	vsub.f32 v40, v35  }
0x8e: {  	v30 =	vadd.f32 $1.000000000e+00, v30;
	v26 =	vadd.f32 v26, v22;
	v51 =	vand.u32 $0xFFFF0000, v63  }
0x8f: {  	v52 =	vshll.u32 v63, $0x10;
	v53 =	vand.u32 $0xFFFF0000, v37;
	v37 =	vshll.u32 v37, $0x10  }
0x90: {  	v54 =	vand.u32 $0xFFFF0000, v43;
	v43 =	vshll.u32 v43, $0x10;
	v63 =	vadd.f32 $1.000000000e+00, v29  }
0x91: {  	v45 =	vld.idx.msk [tilespmem:v45+s2+$0x0], $0xffff;
	v44 =	vand.u32 $0xFFFF0000, v34;
	v34 =	vshll.u32 v34, $0x10;
	v37 =	vpsel p0, v53, v37  }
0x92: {  	v55 =	vpsel p0, v54, v43;
	v28 =	vmul.f32 v28, v30;
	v34 =	vpsel p0, v44, v34  }
0x93: {  	v44 =	vsub.f32 v50, v46;
	v37 =	vmul.f32 $8.643384570e-01, v37;
	v40 =	vmul.f32 $7.697769400e-01, v55  }
0x94: {  	v46 =	vadd.f32 $1.000000000e+00, v32;
	v48 =	vmax.f32 v18, v34;
	v34 =	vsub.f32 v39, v34  }
0x95: {  	v39 =	vpsel p0, v51, v52;
	v28 =	vadd.f32 v28, v22;
	v42 =	vsub.f32 v49, v48  }
0x96: {  	v56 =	vand.u32 $0xFFFF0000, v45;
	v57 =	vshll.u32 v45, $0x10;
	v58 =	vmax.f32 v18, v39  }
0x97: {  	v59 =	vmin.f32 v17, v37;
	v37 =	vsub.f32 v37, v39;
	v39 =	vadd.f32 $1.000000000e+00, v31  }
0x98: {  	v61 =	vmin.f32 v16, v40;
	v45 =	vadd.f32 $1.000000000e+00, v36;
	v49 =	vadd.f32 $1.000000000e+00, v35  }
0x99: {  	v30 =	vmul.f32 v47, v46;
	v51 =	vadd.f32 $1.000000000e+00, v44;
	v41 =	vpsel p0, v56, v57  }
0x9a: {  	v43 =	vsub.f32 v59, v58;
	v48 =	vadd.f32 $1.000000000e+00, v34;
	v60 =	vmax.f32 v19, v41  }
0x9b: {  	v25 =	vmul.f32 v39, v63;
	v40 =	vsub.f32 v40, v41;
	v41 =	vadd.f32 $1.000000000e+00, v33  }
0x9c: {  	v50 =	vadd.f32 $1.000000000e+00, v42;
	v52 =	vadd.f32 $1.000000000e+00, v37  }
0x9d: {  	v28 =	vsub.f32 v28, v30;
	v27 =	vmul.f32 v45, v41;
	v24 =	vsub.f32 v24, v25  }
0x9e: {  	v62 =	vsub.f32 v61, v60;
	v29 =	vadd.f32 $1.000000000e+00, v40  }
0x9f: {  	(erf) = vrcp.f32 v24;
	v26 =	vsub.f32 v26, v27;
	v24 =	vmul.f32 v49, v48  }
0xa0: {  	v53 =	vadd.f32 $1.000000000e+00, v43;
	v31 =	vmul.f32 v51, v50;
	v23 =	vadd.f32 $1.000000000e+00, v62  }
0xa1: {  	(erf) = vrcp.f32 v26;
	v24 =	vadd.f32 v24, v22;
	v26 =	vmul.f32 v29, v52  }
0xa2: {  	v23 =	vmul.f32 v23, v53  }
0xa3: {  	(erf) = vrcp.f32 v28;
	v24 =	vsub.f32 v24, v31;
	v22 =	vadd.f32 v26, v22;
	_ =	sdelay $0x1  }
0xa4: {  	(erf) = vrcp.f32 v24;
	v22 =	vsub.f32 v22, v23;
	_ =	sdelay $0x1  }
0xa5: {  	(erf) = vrcp.f32 v22;
	_ =	sdelay $0x1  }
0xa6: {  	v54 =	vpop (erf)  }
0xa7: {  	v55 =	vpop (erf)  }
0xa8: {  	v22 =	vmul.f32 v54, v25;
	v24 =	vmul.f32 v55, v27  }
0xa9: {  	v56 =	vpop (erf)  }
0xaa: {  	v25 =	vmul.f32 v56, v30;
	vm8 =	vgt.f32 v24, v22  }
0xab: {  	v57 =	vpop (erf);
	v22 =	vsel vm8, v24, v22  }
0xac: {  	vm10 =	vgt.f32 v25, v22;
	v58 =	vmul.f32 v57, v31  }
0xad: {  	v22 =	vsel vm10, v25, v22;
	v59 =	vpop (erf)  }
0xae: {  	vm9 =	vgt.f32 v58, v22;
	v23 =	vmul.f32 v59, v23  }
0xaf: {  	v60 =	vsel vm8, $0x1, v5;
	v22 =	vsel vm9, v58, v22  }
0xb0: {  	v21 =	vld.idx.msk [tilespmem:v21+s14+$0x0], $0xffff;
	v36 =	vor.u32 s23, v2;
	v61 =	vsel vm10, $0x2, v60;
	vm8 =	vgt.f32 v23, v22  }
0xb1: {  	v62 =	vsel vm9, $0x3, v61;
	vm8 =	vmneg vm8  }
0xb2: {  	v22 =	vnsel vm8, $0x4, v62  }
0xb3: {  	v63 =	vmul.u32 $0x19, v22;
	_ =	sdelay $0x1  }
0xb4: {  	vm15 =	vlt.s32 v21, $0x1;
	v39 =	vld.idx.msk [tilespmem:v36+s11+$0x0], $0xffff;
	v32 =	vor.u32 v20, v63;
	v33 =	vadd.s32 v20, v63  }
0xb5: {  	v38 =	vand.u32 $0x3F, v21;
	v37 =	vshra.s32 v21, $0x1F;
	v34 =	vadd.s32 $0x1, v33  }
0xb6: {  	vm11 =	vne.s32 v38, $0x0;
	v29 =	vshrl.u32 v37, $0x1A;
	v35 =	vadd.s32 $0x2, v33  }
0xb7: {  	v29 =	vadd.s32 v29, v21;
	vm10 =	vmand vm15, vm11;
	v40 =	vadd.s32 $0x3, v33  }
0xb8: {  	v29 =	vshra.s32 v29, $0x6;
	v41 =	vsel vm10, $0xFFFFFFFF, v5;
	v45 =	vadd.s32 $0x4, v33  }
0xb9: {  	v29 =	vadd.s32 v41, v29;
	v21 =	vadd.s32 v63, v39;
	v24 =	vld.idx.msk [tilespmem:v32+s2+$0x0], $0xffff  }
0xba: {  	v54 =	vmul.u32 $0x5, v29;
	vm9 =	vmand vm9, vm8;
	v21 =	vadd.s32 $0x5, v21;
	v26 =	vld.idx.msk [tilespmem:v34+s2+$0x0], $0xffff  }
0xbb: {  	vm12 =	veq.s32 v22, $0x1;
	vm13 =	veq.s32 v22, $0x2;
	v48 =	vand.u32 $0xFFFFFF80, v21;
	v27 =	vld.idx.msk [tilespmem:v35+s2+$0x0], $0xffff  }
0xbc: {  	v46 =	vsel vm12, $0x3E7B7D8F, v6;
	v21 =	vand.u32 $0x7F, v21;
	v20 =	vadd.s32 v20, v48;
	v28 =	vld.idx.msk [tilespmem:v40+s2+$0x0], $0xffff  }
0xbd: {  	v47 =	vsel vm12, $0x3E9DE906, v9;
	v25 =	vsel vm13, $0x3EC71F9E, v46;
	v20 =	vor.u32 v21, v20;
	v23 =	vld.idx.msk [tilespmem:v45+s2+$0x0], $0xffff  }
0xbe: {  	v22 =	vadd.s32 v54, v22;
	v52 =	vsel vm13, $0x3F1F7C86, v47;
	v25 =	vsel vm9, $0x3F3A821A, v25  }
0xbf: {  	v53 =	vsel vm9, $0x3EBEA475, v52;
	v42 =	vand.u32 $0xFFFF0000, v24;
	v24 =	vshll.u32 v24, $0x10  }
0xc0: {  	v50 =	vnsel vm8, $0x3F5D4549, v25;
	v24 =	vpsel p0, v42, v24;
	v43 =	vand.u32 $0xFFFF0000, v26  }
0xc1: {  	v26 =	vshll.u32 v26, $0x10;
	v44 =	vand.u32 $0xFFFF0000, v27;
	v27 =	vshll.u32 v27, $0x10  }
0xc2: {  	v20 =	vld.idx.msk [tilespmem:v20+s2+$0x0], $0xffff;
	v49 =	vand.u32 $0xFFFF0000, v28;
	v51 =	vshll.u32 v28, $0x10;
	v57 =	vand.u32 $0xFFFF0000, v23  }
0xc3: {  	[tilespmem:$0x1480] =	vst v22;
	v26 =	vpsel p0, v43, v26;
	v27 =	vpsel p0, v44, v27;
	v24 =	vmul.f32 v24, v18  }
0xc4: {  	v56 =	vld.idx.msk [tilespmem:v10+s17+$0x0], $0xffff;
	v25 =	vpsel p0, v49, v51;
	v21 =	vmul.f32 v27, v50;
	v26 =	vmul.f32 v26, v19  }
0xc5: {  	v58 =	vld.idx.msk [tilespmem:v12+s17+$0x0], $0xffff;
	v18 =	vmul.f32 v18, v18;
	v27 =	vnsel vm8, $0x3F45101A, v53;
	v19 =	vmul.f32 v19, v19  }
0xc6: {  	v59 =	vld.idx.msk [tilespmem:v7+s17+$0x0], $0xffff;
	v25 =	vmul.f32 v25, v27;
	v24 =	vadd.f32 v26, v24;
	v21 =	vmul.f32 v21, v17  }
0xc7: {  	v60 =	vld.idx.msk [tilespmem:v8+s17+$0x0], $0xffff;
	v23 =	vshll.u32 v23, $0x10;
	v18 =	vadd.f32 v19, v18;
	v17 =	vmul.f32 v17, v17  }
0xc8: {  	v23 =	vpsel p0, v57, v23;
	v55 =	vmul.f32 v25, v16;
	v21 =	vadd.f32 v21, v24  }
0xc9: {  	v62 =	vld.idx.msk [tilespmem:v13+s17+$0x0], $0xffff;
	v61 =	vand.u32 $0xFFFF0000, v20;
	v16 =	vmul.f32 v16, v16;
	v17 =	vadd.f32 v17, v18  }
0xca: {  	v20 =	vshll.u32 v20, $0x10;
	vm8 =	veq.s32 v56, v22;
	v21 =	vadd.f32 v21, v55  }
0xcb: {  	vm14 =	veq.s32 v58, v22;
	vm15 =	veq.s32 v59, v22;
	v16 =	vadd.f32 v16, v17;
	v17 =	vld.idx.msk [tilespmem:v11+s17+$0x0], $0xffff  }
0xcc: {  	v63 =	vld.idx.msk [tilespmem:v14+s17+$0x0], $0xffff;
	vm13 =	veq.s32 v60, v22;
	vm8 =	vmand vm8, vm0;
	v21 =	vmul.f32 $5.000000000e+00, v21  }
0xcd: {  	vm9 =	vmand vm14, vm1;
	vm12 =	vmand vm15, vm3;
	vm14 =	vmand vm13, vm4  }
0xce: {  	vm13 =	veq.s32 v62, v22;
	vm8 =	vmor vm8, vm9;
	v21 =	vadd.f32 v23, v21  }
0xcf: {  	v20 =	vpsel p0, v61, v20;
	vm9 =	vmand vm13, vm6;
	vm8 =	vmor vm8, vm12  }
0xd0: {  	v16 =	vmul.f32 $2.500000000e+01, v16;
	vm15 =	veq.s32 v17, v22;
	v17 =	vadd.f32 v20, v21  }
0xd1: {  	vm8 =	vmor vm8, vm14;
	vm14 =	veq.s32 v63, v22;
	vm12 =	vmand vm15, vm5  }
0xd2: {  	p0 =	sne.s32 s22, $0x3;
	v16 =	vadd.f32 $2.000000000e+00, v16;
	vm8 =	vmor vm8, vm12;
	v17 =	vadd.f32 v17, v17  }
.Ltmp1:
0xd3: {  	vm15 =	vmand vm14, vm7;
	vm8 =	vmor vm8, vm9;
	(pc) =	sbr.rel @p0 .LBB2_4-.Ltmp1, $4  }
0xd4: {  	vm8 =	vmor vm8, vm15;
	v16 =	vsub.f32 v16, v17  }
0xd5: {  	vm8 =	vmor vm8, vm2  }
0xd6: {  	v16 =	vsel vm8, $0x0, v16  }
0xd7: {  	s21 =	sadd.s32 $0x8, s21;
	s22 =	sadd.s32 $0x1, s22;
	v15 =	vadd.f32 v16, v15  }
0xd8: {  	s20 =	sadd.s32 $0x1, s20  }
0xd9: {  	p0 =	sne.s32 s20, s7  }
.Ltmp2:
0xda: {  	[tilespmem:$0x1500] =	vst v15;
	(pc) =	sbr.rel @p0 .LBB2_1-.Ltmp2, $4  }
0xdb: {  	[hbm4b:s6+s2] =	stream.linear.scatter [tilespmem:s18], [sflag:$0x4], $0x80, $0x38;
	[tilespmem:$0x1580] =	vst v63  }
0xdc: {  	_ =	swait.ge [sflag:s19], $0x80  }
0xdd: {  	[sflag:s19] =	ssyncset.done $0x0  }
0xde: {  	[sflag:s19] =	ssyncadd.s32 $0xFFFFFF80  }
0xdf: {  	_ =	sfence.sel $0x180000  }
0xe0: {  	[bflag:$0x0] =	sbarrier.arrive $0xFFFF  }
0xe1: {  	p0 =	sne.s32 s1, $0x0;
	_ =	strace $0x90000047  }
0xe2: {  	s0 =	sadd.s32 @!p0 $0x100000, s0;
	[bflag:$0x2] =	sbarrier.arrive $0xFFFF  }
0xe3: {  	[sflag:s0] =	ssyncadd.tile.s32 @!p0 $0x1;
	_ =	shalt  }
.Lfunc_end2:
_tile_overlayer_lowered:
.L_overlay_start_2:
0xe4: {  	(tag) =	ssettag $0x2  }
0xe5: {  	s0 =	rddreg [dreg:$0x0];
	s2 =	stileid.u32  }
0xe6: {  	s1 =	rddreg [dreg:$0x1];
	p0 =	sne.s32 s2, $0x0  }
0xe7: {  	s3 =	rddreg [dreg:$0x2];
	[bflag:$0x3] =	sbarrier.arrive $0xFFFF;
	s2 =	simm.s32 @!p0 $0x1C04  }
0xe8: {  	[timem:s3], [sflag:s2] =	dma.local @!p0 [hbm:s0], s1  }
0xe9: {  	s0 =	simm.s32 @!p0 $0x4  }
0xea: {  	_ =	swait.ge @!p0 [sflag:s0], s1  }
0xeb: {  	s1 =	ssub.s32 @!p0 $0x0, s1;
	[sflag:s0] =	ssyncset.done @!p0 $0x0  }
0xec: {  	[sflag:s0] =	ssyncadd.s32 @!p0 s1  }
0xed: {  	[bflag:$0x3] =	sbarrier.arrive $0xFFFF  }
0xee: {  	_ =	shalt  }

</sc_bundles>
